<compile_context>
chip_gen: v7x
topology: tpu7x:2x2x1
jax: 0.10.2.dev20260603
libtpu: 0.0.44.dev20260713+nightly
codegen_flags: <defaults>
</compile_context>

<pallas_src>
import functools

import jax
import jax.numpy as jnp
from jax import lax
from jax.experimental import pallas as pl
from jax.experimental.pallas import tpu as pltpu
from jax.experimental.pallas import tpu_sc as plsc

_HIDDEN = 128
_EPS = 1e-12
_WINDOW = 128
_CHUNKS = 2


def _sc_gathersum(wl_table, pos_table, hop_table, wl_i, pos_i, hop_i):
    n = wl_i.shape[0]
    d = wl_table.shape[1]
    mesh = plsc.VectorSubcoreMesh(core_axis_name="c", subcore_axis_name="s")
    n_workers = mesh.num_cores * mesh.num_subcores
    rows_per_w = n // n_workers
    n_win = rows_per_w // _WINDOW
    assert rows_per_w % _WINDOW == 0 and n_win % 2 == 0

    out_sds = jax.ShapeDtypeStruct((n, d), jnp.float32)

    vmem_idx = pltpu.VMEM((_WINDOW,), jnp.int32)
    vmem_rows = pltpu.VMEM((_WINDOW, d), jnp.float32)

    @functools.partial(
        pl.kernel,
        out_type=out_sds,
        mesh=mesh,
        scratch_types=[
            vmem_idx, vmem_idx, vmem_idx, vmem_idx, vmem_idx, vmem_idx,
            vmem_rows, vmem_rows, vmem_rows, vmem_rows, vmem_rows, vmem_rows,
            pltpu.SemaphoreType.DMA, pltpu.SemaphoreType.DMA,
            pltpu.SemaphoreType.DMA, pltpu.SemaphoreType.DMA,
            pltpu.SemaphoreType.DMA, pltpu.SemaphoreType.DMA,
        ],
    )
    def sck(wl_t, pos_t, hop_t, wl_idx, pos_idx, hop_idx, osum,
            i00, i01, i02, i10, i11, i12,
            g00, g01, g02, g10, g11, g12,
            semi0, semi1, semg0, semg1, semo0, semo1):
        tbl = (wl_t, pos_t, hop_t)
        idx = (wl_idx, pos_idx, hop_idx)
        ic = ((i00, i01, i02), (i10, i11, i12))
        gb = ((g00, g01, g02), (g10, g11, g12))
        semi = (semi0, semi1)
        semg = (semg0, semg1)
        semo = (semo0, semo1)

        wid = lax.axis_index("s") * mesh.num_cores + lax.axis_index("c")
        base = wid * rows_per_w

        def fire_idx(w, p):
            off = base + w * _WINDOW
            for k in range(3):
                pltpu.async_copy(idx[k].at[pl.ds(off, _WINDOW)], ic[p][k],
                                 semi[p])

        def drain_idx(p):
            for k in range(3):
                pltpu.make_async_copy(idx[k].at[pl.ds(base, _WINDOW)],
                                      ic[p][k], semi[p]).wait()

        def fire_gathers(p):
            for k in range(3):
                pltpu.async_copy(tbl[k].at[ic[p][k]], gb[p][k], semg[p])

        def drain_gathers(p):
            for k in range(3):
                pltpu.make_async_copy(tbl[k].at[pl.ds(0, _WINDOW)],
                                      gb[p][k], semg[p]).wait()

        def sum_bufs(p):
            a0, a1, a2 = gb[p]

            @pl.loop(0, _WINDOW)
            def _(r):
                for c in range(0, d, 16):
                    slc = (pl.ds(r, 1), pl.ds(c, 16))
                    a0.at[slc][...] = (
                        a0.at[slc][...] + a1.at[slc][...] + a2.at[slc][...])

        def fire_outputs(w, p):
            off = base + w * _WINDOW
            pltpu.async_copy(gb[p][0], osum.at[pl.ds(off, _WINDOW)], semo[p])

        def drain_outputs(p):
            pltpu.make_async_copy(tbl[0].at[pl.ds(0, _WINDOW)],
                                  gb[p][0], semo[p]).wait()

        fire_idx(0, 0)
        drain_idx(0)
        fire_gathers(0)
        fire_idx(1, 1)

        @pl.loop(0, n_win // 2)
        def _(j):
            for b in (0, 1):
                w = 2 * j + b
                nb = 1 - b

                @pl.when(w >= 1)
                def _():
                    drain_outputs(nb)

                @pl.when(w + 1 < n_win)
                def _():
                    drain_idx(nb)
                    fire_gathers(nb)

                drain_gathers(b)

                @pl.when(w + 2 < n_win)
                def _():
                    fire_idx(w + 2, b)

                sum_bufs(b)
                fire_outputs(w, b)

        drain_outputs((n_win - 1) % 2)

    return sck(wl_table, pos_table, hop_table, wl_i, pos_i, hop_i)


def _tc_body(raw_ref, g_ref, w_ref, b_ref, gamma_ref, beta_ref, o_ref):
    s, bt, d = raw_ref.shape
    x2 = raw_ref[...].reshape(s * bt, d)
    x = jnp.dot(x2, w_ref[...], preferred_element_type=jnp.float32)
    e = x + b_ref[...] + g_ref[...].reshape(s * bt, d)
    mean = jnp.mean(e, axis=-1, keepdims=True)
    c = e - mean
    var = jnp.mean(c * c, axis=-1, keepdims=True)
    o = c * lax.rsqrt(var + _EPS) * gamma_ref[...] + beta_ref[...]
    o_ref[...] = o.reshape(s, bt, d)


def _tc_body_alias(raw_ref, g_ref, w_ref, b_ref, gamma_ref, beta_ref,
                   prev_ref, o_ref):
    del prev_ref
    _tc_body(raw_ref, g_ref, w_ref, b_ref, gamma_ref, beta_ref, o_ref)


def _tc_fuse_chunk(raw_t, g3, w, b, gamma, beta, tile_b, chunk, spc, prev):
    s, batch, d = raw_t.shape
    grid = (batch // tile_b,)
    raw_spec = pl.BlockSpec((spc, tile_b, d), lambda i: (chunk, i, 0))
    g_spec = pl.BlockSpec((spc, tile_b, d), lambda i: (0, i, 0))
    full_spec = pl.BlockSpec((d, d), lambda i: (0, 0))
    vec_spec = pl.BlockSpec((1, d), lambda i: (0, 0))
    in_specs = [raw_spec, g_spec, full_spec, vec_spec, vec_spec, vec_spec]
    args = [raw_t, g3, w, b.reshape(1, d), gamma.reshape(1, d),
            beta.reshape(1, d)]
    kwargs = {}
    body = _tc_body
    if prev is not None:
        in_specs.append(pl.BlockSpec((spc, 8, d), lambda i: (0, 0, 0)))
        args.append(prev)
        kwargs["input_output_aliases"] = {6: 0}
        body = _tc_body_alias
    return pl.pallas_call(
        body,
        grid=grid,
        in_specs=in_specs,
        out_specs=raw_spec,
        out_shape=jax.ShapeDtypeStruct((s, batch, d), jnp.float32),
        compiler_params=pltpu.CompilerParams(
            dimension_semantics=("parallel",)),
        **kwargs,
    )(*args)


def kernel(raw_features, wl_role_ids, init_pos_ids, hop_dis_ids, W, b,
           wl_table, pos_table, hop_table, gamma, beta):
    batch, seq, x_size = raw_features.shape
    raw_t = raw_features.transpose(1, 0, 2)
    wl_t = wl_role_ids.T
    pos_t = init_pos_ids.T
    hop_t = hop_dis_ids.T
    spc = seq // _CHUNKS

    gs = []
    for c in range(_CHUNKS):
        sl = slice(c * spc, (c + 1) * spc)
        wl_i = wl_t[sl].reshape(-1).astype(jnp.int32)
        pos_i = pos_t[sl].reshape(-1).astype(jnp.int32)
        hop_i = hop_t[sl].reshape(-1).astype(jnp.int32)
        gs.append(_sc_gathersum(wl_table, pos_table, hop_table,
                                wl_i, pos_i, hop_i))

    out = None
    for c in range(_CHUNKS):
        g3 = gs[c].reshape(spc, batch, x_size)
        out = _tc_fuse_chunk(raw_t, g3, W, b, gamma, beta,
                             tile_b=512, chunk=c, spc=spc, prev=out)
    return out.transpose(1, 0, 2)

# --- scband reference (transcript-rebuilt; emitter-appended) ---
"""Pipeline reference for scband-bert-embeddings-16655883174565 (READ-ONLY COPY).

The authoritative reference and input builder live on the scoring server;
editing this copy changes nothing except your own understanding.
"""

import jax, jax.numpy as jnp
import numpy as np

X_SIZE = 128
HIDDEN = 128
VOCAB_WL = 100000
VOCAB_POS = 100000
VOCAB_HOP = 100000
BATCH = 16384
SEQ = 20
EPS = 1e-12


def setup_inputs(seed: int = 0) -> dict:
    key = jax.random.key(seed)
    ks = jax.random.split(key, 12)
    raw_features = jax.random.normal(ks[0], (BATCH, SEQ, X_SIZE), dtype=jnp.float32)
    wl_role_ids = jax.random.randint(ks[1], (BATCH, SEQ), 0, VOCAB_WL, dtype=jnp.int64) if jax.config.jax_enable_x64 else jax.random.randint(ks[1], (BATCH, SEQ), 0, VOCAB_WL).astype(jnp.int32)
    init_pos_ids = jax.random.randint(ks[2], (BATCH, SEQ), 0, VOCAB_POS).astype(jnp.int32)
    hop_dis_ids = jax.random.randint(ks[3], (BATCH, SEQ), 0, VOCAB_HOP).astype(jnp.int32)
    W = jax.random.normal(ks[4], (X_SIZE, HIDDEN), dtype=jnp.float32) * (1.0 / np.sqrt(X_SIZE))
    b = jnp.zeros((HIDDEN,), dtype=jnp.float32)
    wl_table = jax.random.normal(ks[5], (VOCAB_WL, HIDDEN), dtype=jnp.float32) * 0.02
    pos_table = jax.random.normal(ks[6], (VOCAB_POS, HIDDEN), dtype=jnp.float32) * 0.02
    hop_table = jax.random.normal(ks[7], (VOCAB_HOP, HIDDEN), dtype=jnp.float32) * 0.02
    gamma = jnp.ones((HIDDEN,), dtype=jnp.float32)
    beta = jnp.zeros((HIDDEN,), dtype=jnp.float32)
    return {
        "raw_features": raw_features,
        "wl_role_ids": wl_role_ids,
        "init_pos_ids": init_pos_ids,
        "hop_dis_ids": hop_dis_ids,
        "W": W,
        "b": b,
        "wl_table": wl_table,
        "pos_table": pos_table,
        "hop_table": hop_table,
        "gamma": gamma,
        "beta": beta,
    }


def _layer_norm(x, gamma, beta, eps=EPS):
    mean = jnp.mean(x, axis=-1, keepdims=True)
    var = jnp.mean(jnp.square(x - mean), axis=-1, keepdims=True)
    xhat = (x - mean) / jnp.sqrt(var + eps)
    return xhat * gamma + beta


def reference(raw_features, wl_role_ids, init_pos_ids, hop_dis_ids, W, b, wl_table, pos_table, hop_table, gamma, beta):
    raw_feature_embeds = jnp.dot(raw_features, W) + b
    role_embeddings = jnp.take(wl_table, wl_role_ids, axis=0)
    position_embeddings = jnp.take(pos_table, init_pos_ids, axis=0)
    hop_embeddings = jnp.take(hop_table, hop_dis_ids, axis=0)
    embeddings = raw_feature_embeds + role_embeddings + position_embeddings + hop_embeddings
    embeddings = _layer_norm(embeddings, gamma, beta)
    # dropout is identity in eval mode
    return embeddings

if __name__ == "__main__":
    import jax
    _d = setup_inputs()
    print(jax.jit(kernel)(*tuple(_d.values())))

</pallas_src>

<mosaic_0001>
#map = affine_map<(d0, d1) -> (0, 0)>
#map1 = affine_map<(d0, d1) -> (0)>
module attributes {stable_mosaic.version = 14 : i64} {
  func.func @sck(%arg0: i32, %arg1: i32, %arg2: memref<100000x128xf32, #tpu.memory_space<hbm>>, %arg3: memref<100000x128xf32, #tpu.memory_space<hbm>>, %arg4: memref<100000x128xf32, #tpu.memory_space<hbm>>, %arg5: memref<163840xi32, #tpu.memory_space<hbm>>, %arg6: memref<163840xi32, #tpu.memory_space<hbm>>, %arg7: memref<163840xi32, #tpu.memory_space<hbm>>, %arg8: memref<163840x128xf32, #tpu.memory_space<hbm>>, %arg9: memref<128xi32, #tpu.memory_space<vmem>>, %arg10: memref<128xi32, #tpu.memory_space<vmem>>, %arg11: memref<128xi32, #tpu.memory_space<vmem>>, %arg12: memref<128xi32, #tpu.memory_space<vmem>>, %arg13: memref<128xi32, #tpu.memory_space<vmem>>, %arg14: memref<128xi32, #tpu.memory_space<vmem>>, %arg15: memref<128x128xf32, #tpu.memory_space<vmem>>, %arg16: memref<128x128xf32, #tpu.memory_space<vmem>>, %arg17: memref<128x128xf32, #tpu.memory_space<vmem>>, %arg18: memref<128x128xf32, #tpu.memory_space<vmem>>, %arg19: memref<128x128xf32, #tpu.memory_space<vmem>>, %arg20: memref<128x128xf32, #tpu.memory_space<vmem>>, %arg21: memref<!tpu.dma_semaphore, #tpu.memory_space<semaphore_mem>>, %arg22: memref<!tpu.dma_semaphore, #tpu.memory_space<semaphore_mem>>, %arg23: memref<!tpu.dma_semaphore, #tpu.memory_space<semaphore_mem>>, %arg24: memref<!tpu.dma_semaphore, #tpu.memory_space<semaphore_mem>>, %arg25: memref<!tpu.dma_semaphore, #tpu.memory_space<semaphore_mem>>, %arg26: memref<!tpu.dma_semaphore, #tpu.memory_space<semaphore_mem>>) attributes {dimension_semantics = [#tpu.dimension_semantics<core_parallel>, #tpu.dimension_semantics<subcore_parallel>], iteration_bounds = array<i64: 2, 16>, scalar_prefetch = 0 : i64, scratch_operands = 18 : i64, tpu.core_type = #tpu.core_type<sc_vector_subcore>, window_params = [{transform_indices = #map}, {transform_indices = #map}, {transform_indices = #map}, {transform_indices = #map1}, {transform_indices = #map1}, {transform_indices = #map1}, {transform_indices = #map}]} {
    %mul3A = arith.constant 2 : i32
    %mul3A_0 = arith.muli %arg1, %mul3A : i32
    %add3A = arith.addi %mul3A_0, %arg0 : i32
    %mul3A_1 = arith.constant 5120 : i32
    %mul3A_2 = arith.muli %add3A, %mul3A_1 : i32
    %add3A_3 = arith.constant 0 : i32
    %add3A_4 = arith.addi %mul3A_2, %add3A_3 : i32
    %dma_start3A = tpu.memref_slice %arg5[%add3A_4] : memref<163840xi32, #tpu.memory_space<hbm>> -> memref<128xi32, #tpu.memory_space<hbm>>
    %dma_start3A_5 = tpu.memref_slice %arg5[%add3A_4] : memref<163840xi32, #tpu.memory_space<hbm>> -> memref<128xi32, #tpu.memory_space<hbm>>
    tpu.enqueue_dma source(%dma_start3A_5 : memref<128xi32, #tpu.memory_space<hbm>>) target(%arg9 : memref<128xi32, #tpu.memory_space<vmem>>) target_semaphore(%arg21 : memref<!tpu.dma_semaphore, #tpu.memory_space<semaphore_mem>>)
    %dma_start3A_6 = tpu.memref_slice %arg6[%add3A_4] : memref<163840xi32, #tpu.memory_space<hbm>> -> memref<128xi32, #tpu.memory_space<hbm>>
    %dma_start3A_7 = tpu.memref_slice %arg6[%add3A_4] : memref<163840xi32, #tpu.memory_space<hbm>> -> memref<128xi32, #tpu.memory_space<hbm>>
    tpu.enqueue_dma source(%dma_start3A_7 : memref<128xi32, #tpu.memory_space<hbm>>) target(%arg10 : memref<128xi32, #tpu.memory_space<vmem>>) target_semaphore(%arg21 : memref<!tpu.dma_semaphore, #tpu.memory_space<semaphore_mem>>)
    %dma_start3A_8 = tpu.memref_slice %arg7[%add3A_4] : memref<163840xi32, #tpu.memory_space<hbm>> -> memref<128xi32, #tpu.memory_space<hbm>>
    %dma_start3A_9 = tpu.memref_slice %arg7[%add3A_4] : memref<163840xi32, #tpu.memory_space<hbm>> -> memref<128xi32, #tpu.memory_space<hbm>>
    tpu.enqueue_dma source(%dma_start3A_9 : memref<128xi32, #tpu.memory_space<hbm>>) target(%arg11 : memref<128xi32, #tpu.memory_space<vmem>>) target_semaphore(%arg21 : memref<!tpu.dma_semaphore, #tpu.memory_space<semaphore_mem>>)
    %dma_wait3A = tpu.memref_slice %arg5[%mul3A_2] : memref<163840xi32, #tpu.memory_space<hbm>> -> memref<128xi32, #tpu.memory_space<hbm>>
    %dma_wait3A_10 = tpu.memref_slice %arg5[%mul3A_2] : memref<163840xi32, #tpu.memory_space<hbm>> -> memref<128xi32, #tpu.memory_space<hbm>>
    tpu.wait_dma2 semaphore(%arg21 : memref<!tpu.dma_semaphore, #tpu.memory_space<semaphore_mem>>) src(%dma_wait3A_10 : memref<128xi32, #tpu.memory_space<hbm>>) dst(%arg9 : memref<128xi32, #tpu.memory_space<vmem>>)
    %dma_wait3A_11 = tpu.memref_slice %arg6[%mul3A_2] : memref<163840xi32, #tpu.memory_space<hbm>> -> memref<128xi32, #tpu.memory_space<hbm>>
    %dma_wait3A_12 = tpu.memref_slice %arg6[%mul3A_2] : memref<163840xi32, #tpu.memory_space<hbm>> -> memref<128xi32, #tpu.memory_space<hbm>>
    tpu.wait_dma2 semaphore(%arg21 : memref<!tpu.dma_semaphore, #tpu.memory_space<semaphore_mem>>) src(%dma_wait3A_12 : memref<128xi32, #tpu.memory_space<hbm>>) dst(%arg10 : memref<128xi32, #tpu.memory_space<vmem>>)
    %dma_wait3A_13 = tpu.memref_slice %arg7[%mul3A_2] : memref<163840xi32, #tpu.memory_space<hbm>> -> memref<128xi32, #tpu.memory_space<hbm>>
    %dma_wait3A_14 = tpu.memref_slice %arg7[%mul3A_2] : memref<163840xi32, #tpu.memory_space<hbm>> -> memref<128xi32, #tpu.memory_space<hbm>>
    tpu.wait_dma2 semaphore(%arg21 : memref<!tpu.dma_semaphore, #tpu.memory_space<semaphore_mem>>) src(%dma_wait3A_14 : memref<128xi32, #tpu.memory_space<hbm>>) dst(%arg11 : memref<128xi32, #tpu.memory_space<vmem>>)
    %dma_start3A_15 = arith.constant 0 : i32
    %dma_start3A_16 = arith.constant 0 : i32
    %dma_start3A_17 = tpu.memref_slice %arg2[%dma_start3A_15, %dma_start3A_16] : memref<100000x128xf32, #tpu.memory_space<hbm>> -> memref<100000x128xf32, #tpu.memory_space<hbm>>
    tpu.enqueue_indirect_dma source(%dma_start3A_17 : memref<100000x128xf32, #tpu.memory_space<hbm>>) target(%arg15 : memref<128x128xf32, #tpu.memory_space<vmem>>) offsets(%arg9 : memref<128xi32, #tpu.memory_space<vmem>>) semaphore(%arg23 : memref<!tpu.dma_semaphore, #tpu.memory_space<semaphore_mem>>)
    %dma_start3A_18 = arith.constant 0 : i32
    %dma_start3A_19 = arith.constant 0 : i32
    %dma_start3A_20 = tpu.memref_slice %arg3[%dma_start3A_18, %dma_start3A_19] : memref<100000x128xf32, #tpu.memory_space<hbm>> -> memref<100000x128xf32, #tpu.memory_space<hbm>>
    tpu.enqueue_indirect_dma source(%dma_start3A_20 : memref<100000x128xf32, #tpu.memory_space<hbm>>) target(%arg16 : memref<128x128xf32, #tpu.memory_space<vmem>>) offsets(%arg10 : memref<128xi32, #tpu.memory_space<vmem>>) semaphore(%arg23 : memref<!tpu.dma_semaphore, #tpu.memory_space<semaphore_mem>>)
    %dma_start3A_21 = arith.constant 0 : i32
    %dma_start3A_22 = arith.constant 0 : i32
    %dma_start3A_23 = tpu.memref_slice %arg4[%dma_start3A_21, %dma_start3A_22] : memref<100000x128xf32, #tpu.memory_space<hbm>> -> memref<100000x128xf32, #tpu.memory_space<hbm>>
    tpu.enqueue_indirect_dma source(%dma_start3A_23 : memref<100000x128xf32, #tpu.memory_space<hbm>>) target(%arg17 : memref<128x128xf32, #tpu.memory_space<vmem>>) offsets(%arg11 : memref<128xi32, #tpu.memory_space<vmem>>) semaphore(%arg23 : memref<!tpu.dma_semaphore, #tpu.memory_space<semaphore_mem>>)
    %add3A_24 = arith.constant 128 : i32
    %add3A_25 = arith.addi %mul3A_2, %add3A_24 : i32
    %dma_start3A_26 = tpu.memref_slice %arg5[%add3A_25] : memref<163840xi32, #tpu.memory_space<hbm>> -> memref<128xi32, #tpu.memory_space<hbm>>
    %dma_start3A_27 = tpu.memref_slice %arg5[%add3A_25] : memref<163840xi32, #tpu.memory_space<hbm>> -> memref<128xi32, #tpu.memory_space<hbm>>
    tpu.enqueue_dma source(%dma_start3A_27 : memref<128xi32, #tpu.memory_space<hbm>>) target(%arg12 : memref<128xi32, #tpu.memory_space<vmem>>) target_semaphore(%arg22 : memref<!tpu.dma_semaphore, #tpu.memory_space<semaphore_mem>>)
    %dma_start3A_28 = tpu.memref_slice %arg6[%add3A_25] : memref<163840xi32, #tpu.memory_space<hbm>> -> memref<128xi32, #tpu.memory_space<hbm>>
    %dma_start3A_29 = tpu.memref_slice %arg6[%add3A_25] : memref<163840xi32, #tpu.memory_space<hbm>> -> memref<128xi32, #tpu.memory_space<hbm>>
    tpu.enqueue_dma source(%dma_start3A_29 : memref<128xi32, #tpu.memory_space<hbm>>) target(%arg13 : memref<128xi32, #tpu.memory_space<vmem>>) target_semaphore(%arg22 : memref<!tpu.dma_semaphore, #tpu.memory_space<semaphore_mem>>)
    %dma_start3A_30 = tpu.memref_slice %arg7[%add3A_25] : memref<163840xi32, #tpu.memory_space<hbm>> -> memref<128xi32, #tpu.memory_space<hbm>>
    %dma_start3A_31 = tpu.memref_slice %arg7[%add3A_25] : memref<163840xi32, #tpu.memory_space<hbm>> -> memref<128xi32, #tpu.memory_space<hbm>>
    tpu.enqueue_dma source(%dma_start3A_31 : memref<128xi32, #tpu.memory_space<hbm>>) target(%arg14 : memref<128xi32, #tpu.memory_space<vmem>>) target_semaphore(%arg22 : memref<!tpu.dma_semaphore, #tpu.memory_space<semaphore_mem>>)
    %scan3A = arith.constant 0 : i32
    %scan3A_32 = arith.constant 20 : i32
    %scan3A_33 = arith.addi %scan3A, %scan3A_32 : i32
    %scan3A_34 = arith.constant 1 : i32
    scf.for %scan3A_42 = %scan3A to %scan3A_33 step %scan3A_34  : i32 {
      %mul3A_43 = arith.constant 1 : i32
      %mul3A_44 = arith.muli %scan3A_42, %mul3A_43 : i32
      %add3A_45 = arith.constant 0 : i32
      %add3A_46 = arith.addi %add3A_45, %mul3A_44 : i32
      %mul3A_47 = arith.constant 2 : i32
      %mul3A_48 = arith.muli %mul3A_47, %add3A_46 : i32
      %add3A_49 = arith.constant 0 : i32
      %add3A_50 = arith.addi %mul3A_48, %add3A_49 : i32
      %ge3A = arith.constant 1 : i32
      %ge3A_51 = arith.cmpi sge, %add3A_50, %ge3A : i32
      %convert_element_type3A = arith.extui %ge3A_51 : i1 to i32
      %cond3A = arith.constant 0 : i32
      %cond3A_52 = arith.cmpi ne, %convert_element_type3A, %cond3A : i32
      scf.if %cond3A_52 {
        %dma_wait3A_149 = arith.constant 0 : i32
        %dma_wait3A_150 = arith.constant 0 : i32
        %dma_wait3A_151 = tpu.memref_slice %arg2[%dma_wait3A_149, %dma_wait3A_150] : memref<100000x128xf32, #tpu.memory_space<hbm>> -> memref<128x128xf32, #tpu.memory_space<hbm>>
        %dma_wait3A_152 = arith.constant 0 : i32
        %dma_wait3A_153 = arith.constant 0 : i32
        %dma_wait3A_154 = tpu.memref_slice %arg2[%dma_wait3A_152, %dma_wait3A_153] : memref<100000x128xf32, #tpu.memory_space<hbm>> -> memref<128x128xf32, #tpu.memory_space<hbm>>
        tpu.wait_dma2 semaphore(%arg26 : memref<!tpu.dma_semaphore, #tpu.memory_space<semaphore_mem>>) src(%dma_wait3A_154 : memref<128x128xf32, #tpu.memory_space<hbm>>) dst(%arg18 : memref<128x128xf32, #tpu.memory_space<vmem>>)
      } else {
      }
      %add3A_53 = arith.constant 1 : i32
      %add3A_54 = arith.addi %add3A_50, %add3A_53 : i32
      %lt3A = arith.constant 40 : i32
      %lt3A_55 = arith.cmpi slt, %add3A_54, %lt3A : i32
      %convert_element_type3A_56 = arith.extui %lt3A_55 : i1 to i32
      %cond3A_57 = arith.constant 0 : i32
      %cond3A_58 = arith.cmpi ne, %convert_element_type3A_56, %cond3A_57 : i32
      scf.if %cond3A_58 {
        %dma_wait3A_149 = tpu.memref_slice %arg5[%mul3A_2] : memref<163840xi32, #tpu.memory_space<hbm>> -> memref<128xi32, #tpu.memory_space<hbm>>
        %dma_wait3A_150 = tpu.memref_slice %arg5[%mul3A_2] : memref<163840xi32, #tpu.memory_space<hbm>> -> memref<128xi32, #tpu.memory_space<hbm>>
        tpu.wait_dma2 semaphore(%arg22 : memref<!tpu.dma_semaphore, #tpu.memory_space<semaphore_mem>>) src(%dma_wait3A_150 : memref<128xi32, #tpu.memory_space<hbm>>) dst(%arg12 : memref<128xi32, #tpu.memory_space<vmem>>)
        %dma_wait3A_151 = tpu.memref_slice %arg6[%mul3A_2] : memref<163840xi32, #tpu.memory_space<hbm>> -> memref<128xi32, #tpu.memory_space<hbm>>
        %dma_wait3A_152 = tpu.memref_slice %arg6[%mul3A_2] : memref<163840xi32, #tpu.memory_space<hbm>> -> memref<128xi32, #tpu.memory_space<hbm>>
        tpu.wait_dma2 semaphore(%arg22 : memref<!tpu.dma_semaphore, #tpu.memory_space<semaphore_mem>>) src(%dma_wait3A_152 : memref<128xi32, #tpu.memory_space<hbm>>) dst(%arg13 : memref<128xi32, #tpu.memory_space<vmem>>)
        %dma_wait3A_153 = tpu.memref_slice %arg7[%mul3A_2] : memref<163840xi32, #tpu.memory_space<hbm>> -> memref<128xi32, #tpu.memory_space<hbm>>
        %dma_wait3A_154 = tpu.memref_slice %arg7[%mul3A_2] : memref<163840xi32, #tpu.memory_space<hbm>> -> memref<128xi32, #tpu.memory_space<hbm>>
        tpu.wait_dma2 semaphore(%arg22 : memref<!tpu.dma_semaphore, #tpu.memory_space<semaphore_mem>>) src(%dma_wait3A_154 : memref<128xi32, #tpu.memory_space<hbm>>) dst(%arg14 : memref<128xi32, #tpu.memory_space<vmem>>)
        %dma_start3A_155 = arith.constant 0 : i32
        %dma_start3A_156 = arith.constant 0 : i32
        %dma_start3A_157 = tpu.memref_slice %arg2[%dma_start3A_155, %dma_start3A_156] : memref<100000x128xf32, #tpu.memory_space<hbm>> -> memref<100000x128xf32, #tpu.memory_space<hbm>>
        tpu.enqueue_indirect_dma source(%dma_start3A_157 : memref<100000x128xf32, #tpu.memory_space<hbm>>) target(%arg18 : memref<128x128xf32, #tpu.memory_space<vmem>>) offsets(%arg12 : memref<128xi32, #tpu.memory_space<vmem>>) semaphore(%arg24 : memref<!tpu.dma_semaphore, #tpu.memory_space<semaphore_mem>>)
        %dma_start3A_158 = arith.constant 0 : i32
        %dma_start3A_159 = arith.constant 0 : i32
        %dma_start3A_160 = tpu.memref_slice %arg3[%dma_start3A_158, %dma_start3A_159] : memref<100000x128xf32, #tpu.memory_space<hbm>> -> memref<100000x128xf32, #tpu.memory_space<hbm>>
        tpu.enqueue_indirect_dma source(%dma_start3A_160 : memref<100000x128xf32, #tpu.memory_space<hbm>>) target(%arg19 : memref<128x128xf32, #tpu.memory_space<vmem>>) offsets(%arg13 : memref<128xi32, #tpu.memory_space<vmem>>) semaphore(%arg24 : memref<!tpu.dma_semaphore, #tpu.memory_space<semaphore_mem>>)
        %dma_start3A_161 = arith.constant 0 : i32
        %dma_start3A_162 = arith.constant 0 : i32
        %dma_start3A_163 = tpu.memref_slice %arg4[%dma_start3A_161, %dma_start3A_162] : memref<100000x128xf32, #tpu.memory_space<hbm>> -> memref<100000x128xf32, #tpu.memory_space<hbm>>
        tpu.enqueue_indirect_dma source(%dma_start3A_163 : memref<100000x128xf32, #tpu.memory_space<hbm>>) target(%arg20 : memref<128x128xf32, #tpu.memory_space<vmem>>) offsets(%arg14 : memref<128xi32, #tpu.memory_space<vmem>>) semaphore(%arg24 : memref<!tpu.dma_semaphore, #tpu.memory_space<semaphore_mem>>)
      } else {
      }
      %dma_wait3A_59 = arith.constant 0 : i32
      %dma_wait3A_60 = arith.constant 0 : i32
      %dma_wait3A_61 = tpu.memref_slice %arg2[%dma_wait3A_59, %dma_wait3A_60] : memref<100000x128xf32, #tpu.memory_space<hbm>> -> memref<128x128xf32, #tpu.memory_space<hbm>>
      %dma_wait3A_62 = arith.constant 0 : i32
      %dma_wait3A_63 = arith.constant 0 : i32
      %dma_wait3A_64 = tpu.memref_slice %arg2[%dma_wait3A_62, %dma_wait3A_63] : memref<100000x128xf32, #tpu.memory_space<hbm>> -> memref<128x128xf32, #tpu.memory_space<hbm>>
      tpu.wait_dma2 semaphore(%arg23 : memref<!tpu.dma_semaphore, #tpu.memory_space<semaphore_mem>>) src(%dma_wait3A_64 : memref<128x128xf32, #tpu.memory_space<hbm>>) dst(%arg15 : memref<128x128xf32, #tpu.memory_space<vmem>>)
      %dma_wait3A_65 = arith.constant 0 : i32
      %dma_wait3A_66 = arith.constant 0 : i32
      %dma_wait3A_67 = tpu.memref_slice %arg3[%dma_wait3A_65, %dma_wait3A_66] : memref<100000x128xf32, #tpu.memory_space<hbm>> -> memref<128x128xf32, #tpu.memory_space<hbm>>
      %dma_wait3A_68 = arith.constant 0 : i32
      %dma_wait3A_69 = arith.constant 0 : i32
      %dma_wait3A_70 = tpu.memref_slice %arg3[%dma_wait3A_68, %dma_wait3A_69] : memref<100000x128xf32, #tpu.memory_space<hbm>> -> memref<128x128xf32, #tpu.memory_space<hbm>>
      tpu.wait_dma2 semaphore(%arg23 : memref<!tpu.dma_semaphore, #tpu.memory_space<semaphore_mem>>) src(%dma_wait3A_70 : memref<128x128xf32, #tpu.memory_space<hbm>>) dst(%arg16 : memref<128x128xf32, #tpu.memory_space<vmem>>)
      %dma_wait3A_71 = arith.constant 0 : i32
      %dma_wait3A_72 = arith.constant 0 : i32
      %dma_wait3A_73 = tpu.memref_slice %arg4[%dma_wait3A_71, %dma_wait3A_72] : memref<100000x128xf32, #tpu.memory_space<hbm>> -> memref<128x128xf32, #tpu.memory_space<hbm>>
      %dma_wait3A_74 = arith.constant 0 : i32
      %dma_wait3A_75 = arith.constant 0 : i32
      %dma_wait3A_76 = tpu.memref_slice %arg4[%dma_wait3A_74, %dma_wait3A_75] : memref<100000x128xf32, #tpu.memory_space<hbm>> -> memref<128x128xf32, #tpu.memory_space<hbm>>
      tpu.wait_dma2 semaphore(%arg23 : memref<!tpu.dma_semaphore, #tpu.memory_space<semaphore_mem>>) src(%dma_wait3A_76 : memref<128x128xf32, #tpu.memory_space<hbm>>) dst(%arg17 : memref<128x128xf32, #tpu.memory_space<vmem>>)
      %add3A_77 = arith.constant 2 : i32
      %add3A_78 = arith.addi %add3A_50, %add3A_77 : i32
      %lt3A_79 = arith.constant 40 : i32
      %lt3A_80 = arith.cmpi slt, %add3A_78, %lt3A_79 : i32
      %convert_element_type3A_81 = arith.extui %lt3A_80 : i1 to i32
      %cond3A_82 = arith.constant 0 : i32
      %cond3A_83 = arith.cmpi ne, %convert_element_type3A_81, %cond3A_82 : i32
      scf.if %cond3A_83 {
        %add3A_149 = arith.constant 2 : i32
        %add3A_150 = arith.addi %add3A_50, %add3A_149 : i32
        %mul3A_151 = arith.constant 128 : i32
        %mul3A_152 = arith.muli %add3A_150, %mul3A_151 : i32
        %add3A_153 = arith.addi %mul3A_2, %mul3A_152 : i32
        %dma_start3A_154 = tpu.memref_slice %arg5[%add3A_153] : memref<163840xi32, #tpu.memory_space<hbm>> -> memref<128xi32, #tpu.memory_space<hbm>>
        %dma_start3A_155 = tpu.memref_slice %arg5[%add3A_153] : memref<163840xi32, #tpu.memory_space<hbm>> -> memref<128xi32, #tpu.memory_space<hbm>>
        tpu.enqueue_dma source(%dma_start3A_155 : memref<128xi32, #tpu.memory_space<hbm>>) target(%arg9 : memref<128xi32, #tpu.memory_space<vmem>>) target_semaphore(%arg21 : memref<!tpu.dma_semaphore, #tpu.memory_space<semaphore_mem>>)
        %dma_start3A_156 = tpu.memref_slice %arg6[%add3A_153] : memref<163840xi32, #tpu.memory_space<hbm>> -> memref<128xi32, #tpu.memory_space<hbm>>
        %dma_start3A_157 = tpu.memref_slice %arg6[%add3A_153] : memref<163840xi32, #tpu.memory_space<hbm>> -> memref<128xi32, #tpu.memory_space<hbm>>
        tpu.enqueue_dma source(%dma_start3A_157 : memref<128xi32, #tpu.memory_space<hbm>>) target(%arg10 : memref<128xi32, #tpu.memory_space<vmem>>) target_semaphore(%arg21 : memref<!tpu.dma_semaphore, #tpu.memory_space<semaphore_mem>>)
        %dma_start3A_158 = tpu.memref_slice %arg7[%add3A_153] : memref<163840xi32, #tpu.memory_space<hbm>> -> memref<128xi32, #tpu.memory_space<hbm>>
        %dma_start3A_159 = tpu.memref_slice %arg7[%add3A_153] : memref<163840xi32, #tpu.memory_space<hbm>> -> memref<128xi32, #tpu.memory_space<hbm>>
        tpu.enqueue_dma source(%dma_start3A_159 : memref<128xi32, #tpu.memory_space<hbm>>) target(%arg11 : memref<128xi32, #tpu.memory_space<vmem>>) target_semaphore(%arg21 : memref<!tpu.dma_semaphore, #tpu.memory_space<semaphore_mem>>)
      } else {
      }
      %scan3A_84 = arith.constant 0 : i32
      %scan3A_85 = arith.constant 128 : i32
      %scan3A_86 = arith.addi %scan3A_84, %scan3A_85 : i32
      %scan3A_87 = arith.constant 1 : i32
      scf.for %scan3A_149 = %scan3A_84 to %scan3A_86 step %scan3A_87  : i32 {
        %mul3A_150 = arith.constant 1 : i32
        %mul3A_151 = arith.muli %scan3A_149, %mul3A_150 : i32
        %add3A_152 = arith.constant 0 : i32
        %add3A_153 = arith.addi %add3A_152, %mul3A_151 : i32
        %get3A = arith.index_cast %add3A_153 : i32 to index
        %get3A_154 = arith.constant 0 : index
        %get3A_155 = tpu.vector_load %arg15[%get3A, %get3A_154] {strides = array<i32>} : memref<128x128xf32, #tpu.memory_space<vmem>>, vector<1x16xf32>,
        %get3A_156 = vector.shape_cast %get3A_155 : vector<1x16xf32> to vector<1x16xf32>
        %get3A_157 = arith.index_cast %add3A_153 : i32 to index
        %get3A_158 = arith.constant 0 : index
        %get3A_159 = tpu.vector_load %arg16[%get3A_157, %get3A_158] {strides = array<i32>} : memref<128x128xf32, #tpu.memory_space<vmem>>, vector<1x16xf32>,
        %get3A_160 = vector.shape_cast %get3A_159 : vector<1x16xf32> to vector<1x16xf32>
        %add3A_161 = arith.addf %get3A_156, %get3A_160 : vector<1x16xf32>
        %get3A_162 = arith.index_cast %add3A_153 : i32 to index
        %get3A_163 = arith.constant 0 : index
        %get3A_164 = tpu.vector_load %arg17[%get3A_162, %get3A_163] {strides = array<i32>} : memref<128x128xf32, #tpu.memory_space<vmem>>, vector<1x16xf32>,
        %get3A_165 = vector.shape_cast %get3A_164 : vector<1x16xf32> to vector<1x16xf32>
        %add3A_166 = arith.addf %add3A_161, %get3A_165 : vector<1x16xf32>
        %swap3A = arith.index_cast %add3A_153 : i32 to index
        %swap3A_167 = arith.constant 0 : index
        %swap3A_168 = tpu.vector_load %arg15[%swap3A, %swap3A_167] {strides = array<i32>} : memref<128x128xf32, #tpu.memory_space<vmem>>, vector<1x16xf32>,
        %swap3A_169 = vector.shape_cast %swap3A_168 : vector<1x16xf32> to vector<1x16xf32>
        %swap3A_170 = vector.shape_cast %add3A_166 : vector<1x16xf32> to vector<1x16xf32>
        tpu.vector_store %arg15[%swap3A, %swap3A_167], %swap3A_170 {strides = array<i32>} : memref<128x128xf32, #tpu.memory_space<vmem>>, vector<1x16xf32>,
        %get3A_171 = arith.index_cast %add3A_153 : i32 to index
        %get3A_172 = arith.constant 16 : index
        %get3A_173 = tpu.vector_load %arg15[%get3A_171, %get3A_172] {strides = array<i32>} : memref<128x128xf32, #tpu.memory_space<vmem>>, vector<1x16xf32>,
        %get3A_174 = vector.shape_cast %get3A_173 : vector<1x16xf32> to vector<1x16xf32>
        %get3A_175 = arith.index_cast %add3A_153 : i32 to index
        %get3A_176 = arith.constant 16 : index
        %get3A_177 = tpu.vector_load %arg16[%get3A_175, %get3A_176] {strides = array<i32>} : memref<128x128xf32, #tpu.memory_space<vmem>>, vector<1x16xf32>,
        %get3A_178 = vector.shape_cast %get3A_177 : vector<1x16xf32> to vector<1x16xf32>
        %add3A_179 = arith.addf %get3A_174, %get3A_178 : vector<1x16xf32>
        %get3A_180 = arith.index_cast %add3A_153 : i32 to index
        %get3A_181 = arith.constant 16 : index
        %get3A_182 = tpu.vector_load %arg17[%get3A_180, %get3A_181] {strides = array<i32>} : memref<128x128xf32, #tpu.memory_space<vmem>>, vector<1x16xf32>,
        %get3A_183 = vector.shape_cast %get3A_182 : vector<1x16xf32> to vector<1x16xf32>
        %add3A_184 = arith.addf %add3A_179, %get3A_183 : vector<1x16xf32>
        %swap3A_185 = arith.index_cast %add3A_153 : i32 to index
        %swap3A_186 = arith.constant 16 : index
        %swap3A_187 = tpu.vector_load %arg15[%swap3A_185, %swap3A_186] {strides = array<i32>} : memref<128x128xf32, #tpu.memory_space<vmem>>, vector<1x16xf32>,
        %swap3A_188 = vector.shape_cast %swap3A_187 : vector<1x16xf32> to vector<1x16xf32>
        %swap3A_189 = vector.shape_cast %add3A_184 : vector<1x16xf32> to vector<1x16xf32>
        tpu.vector_store %arg15[%swap3A_185, %swap3A_186], %swap3A_189 {strides = array<i32>} : memref<128x128xf32, #tpu.memory_space<vmem>>, vector<1x16xf32>,
        %get3A_190 = arith.index_cast %add3A_153 : i32 to index
        %get3A_191 = arith.constant 32 : index
        %get3A_192 = tpu.vector_load %arg15[%get3A_190, %get3A_191] {strides = array<i32>} : memref<128x128xf32, #tpu.memory_space<vmem>>, vector<1x16xf32>,
        %get3A_193 = vector.shape_cast %get3A_192 : vector<1x16xf32> to vector<1x16xf32>
        %get3A_194 = arith.index_cast %add3A_153 : i32 to index
        %get3A_195 = arith.constant 32 : index
        %get3A_196 = tpu.vector_load %arg16[%get3A_194, %get3A_195] {strides = array<i32>} : memref<128x128xf32, #tpu.memory_space<vmem>>, vector<1x16xf32>,
        %get3A_197 = vector.shape_cast %get3A_196 : vector<1x16xf32> to vector<1x16xf32>
        %add3A_198 = arith.addf %get3A_193, %get3A_197 : vector<1x16xf32>
        %get3A_199 = arith.index_cast %add3A_153 : i32 to index
        %get3A_200 = arith.constant 32 : index
        %get3A_201 = tpu.vector_load %arg17[%get3A_199, %get3A_200] {strides = array<i32>} : memref<128x128xf32, #tpu.memory_space<vmem>>, vector<1x16xf32>,
        %get3A_202 = vector.shape_cast %get3A_201 : vector<1x16xf32> to vector<1x16xf32>
        %add3A_203 = arith.addf %add3A_198, %get3A_202 : vector<1x16xf32>
        %swap3A_204 = arith.index_cast %add3A_153 : i32 to index
        %swap3A_205 = arith.constant 32 : index
        %swap3A_206 = tpu.vector_load %arg15[%swap3A_204, %swap3A_205] {strides = array<i32>} : memref<128x128xf32, #tpu.memory_space<vmem>>, vector<1x16xf32>,
        %swap3A_207 = vector.shape_cast %swap3A_206 : vector<1x16xf32> to vector<1x16xf32>
        %swap3A_208 = vector.shape_cast %add3A_203 : vector<1x16xf32> to vector<1x16xf32>
        tpu.vector_store %arg15[%swap3A_204, %swap3A_205], %swap3A_208 {strides = array<i32>} : memref<128x128xf32, #tpu.memory_space<vmem>>, vector<1x16xf32>,
        %get3A_209 = arith.index_cast %add3A_153 : i32 to index
        %get3A_210 = arith.constant 48 : index
        %get3A_211 = tpu.vector_load %arg15[%get3A_209, %get3A_210] {strides = array<i32>} : memref<128x128xf32, #tpu.memory_space<vmem>>, vector<1x16xf32>,
        %get3A_212 = vector.shape_cast %get3A_211 : vector<1x16xf32> to vector<1x16xf32>
        %get3A_213 = arith.index_cast %add3A_153 : i32 to index
        %get3A_214 = arith.constant 48 : index
        %get3A_215 = tpu.vector_load %arg16[%get3A_213, %get3A_214] {strides = array<i32>} : memref<128x128xf32, #tpu.memory_space<vmem>>, vector<1x16xf32>,
        %get3A_216 = vector.shape_cast %get3A_215 : vector<1x16xf32> to vector<1x16xf32>
        %add3A_217 = arith.addf %get3A_212, %get3A_216 : vector<1x16xf32>
        %get3A_218 = arith.index_cast %add3A_153 : i32 to index
        %get3A_219 = arith.constant 48 : index
        %get3A_220 = tpu.vector_load %arg17[%get3A_218, %get3A_219] {strides = array<i32>} : memref<128x128xf32, #tpu.memory_space<vmem>>, vector<1x16xf32>,
        %get3A_221 = vector.shape_cast %get3A_220 : vector<1x16xf32> to vector<1x16xf32>
        %add3A_222 = arith.addf %add3A_217, %get3A_221 : vector<1x16xf32>
        %swap3A_223 = arith.index_cast %add3A_153 : i32 to index
        %swap3A_224 = arith.constant 48 : index
        %swap3A_225 = tpu.vector_load %arg15[%swap3A_223, %swap3A_224] {strides = array<i32>} : memref<128x128xf32, #tpu.memory_space<vmem>>, vector<1x16xf32>,
        %swap3A_226 = vector.shape_cast %swap3A_225 : vector<1x16xf32> to vector<1x16xf32>
        %swap3A_227 = vector.shape_cast %add3A_222 : vector<1x16xf32> to vector<1x16xf32>
        tpu.vector_store %arg15[%swap3A_223, %swap3A_224], %swap3A_227 {strides = array<i32>} : memref<128x128xf32, #tpu.memory_space<vmem>>, vector<1x16xf32>,
        %get3A_228 = arith.index_cast %add3A_153 : i32 to index
        %get3A_229 = arith.constant 64 : index
        %get3A_230 = tpu.vector_load %arg15[%get3A_228, %get3A_229] {strides = array<i32>} : memref<128x128xf32, #tpu.memory_space<vmem>>, vector<1x16xf32>,
        %get3A_231 = vector.shape_cast %get3A_230 : vector<1x16xf32> to vector<1x16xf32>
        %get3A_232 = arith.index_cast %add3A_153 : i32 to index
        %get3A_233 = arith.constant 64 : index
        %get3A_234 = tpu.vector_load %arg16[%get3A_232, %get3A_233] {strides = array<i32>} : memref<128x128xf32, #tpu.memory_space<vmem>>, vector<1x16xf32>,
        %get3A_235 = vector.shape_cast %get3A_234 : vector<1x16xf32> to vector<1x16xf32>
        %add3A_236 = arith.addf %get3A_231, %get3A_235 : vector<1x16xf32>
        %get3A_237 = arith.index_cast %add3A_153 : i32 to index
        %get3A_238 = arith.constant 64 : index
        %get3A_239 = tpu.vector_load %arg17[%get3A_237, %get3A_238] {strides = array<i32>} : memref<128x128xf32, #tpu.memory_space<vmem>>, vector<1x16xf32>,
        %get3A_240 = vector.shape_cast %get3A_239 : vector<1x16xf32> to vector<1x16xf32>
        %add3A_241 = arith.addf %add3A_236, %get3A_240 : vector<1x16xf32>
        %swap3A_242 = arith.index_cast %add3A_153 : i32 to index
        %swap3A_243 = arith.constant 64 : index
        %swap3A_244 = tpu.vector_load %arg15[%swap3A_242, %swap3A_243] {strides = array<i32>} : memref<128x128xf32, #tpu.memory_space<vmem>>, vector<1x16xf32>,
        %swap3A_245 = vector.shape_cast %swap3A_244 : vector<1x16xf32> to vector<1x16xf32>
        %swap3A_246 = vector.shape_cast %add3A_241 : vector<1x16xf32> to vector<1x16xf32>
        tpu.vector_store %arg15[%swap3A_242, %swap3A_243], %swap3A_246 {strides = array<i32>} : memref<128x128xf32, #tpu.memory_space<vmem>>, vector<1x16xf32>,
        %get3A_247 = arith.index_cast %add3A_153 : i32 to index
        %get3A_248 = arith.constant 80 : index
        %get3A_249 = tpu.vector_load %arg15[%get3A_247, %get3A_248] {strides = array<i32>} : memref<128x128xf32, #tpu.memory_space<vmem>>, vector<1x16xf32>,
        %get3A_250 = vector.shape_cast %get3A_249 : vector<1x16xf32> to vector<1x16xf32>
        %get3A_251 = arith.index_cast %add3A_153 : i32 to index
        %get3A_252 = arith.constant 80 : index
        %get3A_253 = tpu.vector_load %arg16[%get3A_251, %get3A_252] {strides = array<i32>} : memref<128x128xf32, #tpu.memory_space<vmem>>, vector<1x16xf32>,
        %get3A_254 = vector.shape_cast %get3A_253 : vector<1x16xf32> to vector<1x16xf32>
        %add3A_255 = arith.addf %get3A_250, %get3A_254 : vector<1x16xf32>
        %get3A_256 = arith.index_cast %add3A_153 : i32 to index
        %get3A_257 = arith.constant 80 : index
        %get3A_258 = tpu.vector_load %arg17[%get3A_256, %get3A_257] {strides = array<i32>} : memref<128x128xf32, #tpu.memory_space<vmem>>, vector<1x16xf32>,
        %get3A_259 = vector.shape_cast %get3A_258 : vector<1x16xf32> to vector<1x16xf32>
        %add3A_260 = arith.addf %add3A_255, %get3A_259 : vector<1x16xf32>
        %swap3A_261 = arith.index_cast %add3A_153 : i32 to index
        %swap3A_262 = arith.constant 80 : index
        %swap3A_263 = tpu.vector_load %arg15[%swap3A_261, %swap3A_262] {strides = array<i32>} : memref<128x128xf32, #tpu.memory_space<vmem>>, vector<1x16xf32>,
        %swap3A_264 = vector.shape_cast %swap3A_263 : vector<1x16xf32> to vector<1x16xf32>
        %swap3A_265 = vector.shape_cast %add3A_260 : vector<1x16xf32> to vector<1x16xf32>
        tpu.vector_store %arg15[%swap3A_261, %swap3A_262], %swap3A_265 {strides = array<i32>} : memref<128x128xf32, #tpu.memory_space<vmem>>, vector<1x16xf32>,
        %get3A_266 = arith.index_cast %add3A_153 : i32 to index
        %get3A_267 = arith.constant 96 : index
        %get3A_268 = tpu.vector_load %arg15[%get3A_266, %get3A_267] {strides = array<i32>} : memref<128x128xf32, #tpu.memory_space<vmem>>, vector<1x16xf32>,
        %get3A_269 = vector.shape_cast %get3A_268 : vector<1x16xf32> to vector<1x16xf32>
        %get3A_270 = arith.index_cast %add3A_153 : i32 to index
        %get3A_271 = arith.constant 96 : index
        %get3A_272 = tpu.vector_load %arg16[%get3A_270, %get3A_271] {strides = array<i32>} : memref<128x128xf32, #tpu.memory_space<vmem>>, vector<1x16xf32>,
        %get3A_273 = vector.shape_cast %get3A_272 : vector<1x16xf32> to vector<1x16xf32>
        %add3A_274 = arith.addf %get3A_269, %get3A_273 : vector<1x16xf32>
        %get3A_275 = arith.index_cast %add3A_153 : i32 to index
        %get3A_276 = arith.constant 96 : index
        %get3A_277 = tpu.vector_load %arg17[%get3A_275, %get3A_276] {strides = array<i32>} : memref<128x128xf32, #tpu.memory_space<vmem>>, vector<1x16xf32>,
        %get3A_278 = vector.shape_cast %get3A_277 : vector<1x16xf32> to vector<1x16xf32>
        %add3A_279 = arith.addf %add3A_274, %get3A_278 : vector<1x16xf32>
        %swap3A_280 = arith.index_cast %add3A_153 : i32 to index
        %swap3A_281 = arith.constant 96 : index
        %swap3A_282 = tpu.vector_load %arg15[%swap3A_280, %swap3A_281] {strides = array<i32>} : memref<128x128xf32, #tpu.memory_space<vmem>>, vector<1x16xf32>,
        %swap3A_283 = vector.shape_cast %swap3A_282 : vector<1x16xf32> to vector<1x16xf32>
        %swap3A_284 = vector.shape_cast %add3A_279 : vector<1x16xf32> to vector<1x16xf32>
        tpu.vector_store %arg15[%swap3A_280, %swap3A_281], %swap3A_284 {strides = array<i32>} : memref<128x128xf32, #tpu.memory_space<vmem>>, vector<1x16xf32>,
        %get3A_285 = arith.index_cast %add3A_153 : i32 to index
        %get3A_286 = arith.constant 112 : index
        %get3A_287 = tpu.vector_load %arg15[%get3A_285, %get3A_286] {strides = array<i32>} : memref<128x128xf32, #tpu.memory_space<vmem>>, vector<1x16xf32>,
        %get3A_288 = vector.shape_cast %get3A_287 : vector<1x16xf32> to vector<1x16xf32>
        %get3A_289 = arith.index_cast %add3A_153 : i32 to index
        %get3A_290 = arith.constant 112 : index
        %get3A_291 = tpu.vector_load %arg16[%get3A_289, %get3A_290] {strides = array<i32>} : memref<128x128xf32, #tpu.memory_space<vmem>>, vector<1x16xf32>,
        %get3A_292 = vector.shape_cast %get3A_291 : vector<1x16xf32> to vector<1x16xf32>
        %add3A_293 = arith.addf %get3A_288, %get3A_292 : vector<1x16xf32>
        %get3A_294 = arith.index_cast %add3A_153 : i32 to index
        %get3A_295 = arith.constant 112 : index
        %get3A_296 = tpu.vector_load %arg17[%get3A_294, %get3A_295] {strides = array<i32>} : memref<128x128xf32, #tpu.memory_space<vmem>>, vector<1x16xf32>,
        %get3A_297 = vector.shape_cast %get3A_296 : vector<1x16xf32> to vector<1x16xf32>
        %add3A_298 = arith.addf %add3A_293, %get3A_297 : vector<1x16xf32>
        %swap3A_299 = arith.index_cast %add3A_153 : i32 to index
        %swap3A_300 = arith.constant 112 : index
        %swap3A_301 = tpu.vector_load %arg15[%swap3A_299, %swap3A_300] {strides = array<i32>} : memref<128x128xf32, #tpu.memory_space<vmem>>, vector<1x16xf32>,
        %swap3A_302 = vector.shape_cast %swap3A_301 : vector<1x16xf32> to vector<1x16xf32>
        %swap3A_303 = vector.shape_cast %add3A_298 : vector<1x16xf32> to vector<1x16xf32>
        tpu.vector_store %arg15[%swap3A_299, %swap3A_300], %swap3A_303 {strides = array<i32>} : memref<128x128xf32, #tpu.memory_space<vmem>>, vector<1x16xf32>,
      }
      %scan3A_88 = arith.constant 128 : i32
      %mul3A_89 = arith.constant 128 : i32
      %mul3A_90 = arith.muli %add3A_50, %mul3A_89 : i32
      %add3A_91 = arith.addi %mul3A_2, %mul3A_90 : i32
      %dma_start3A_92 = arith.constant 0 : i32
      %dma_start3A_93 = tpu.memref_slice %arg8[%add3A_91, %dma_start3A_92] : memref<163840x128xf32, #tpu.memory_space<hbm>> -> memref<128x128xf32, #tpu.memory_space<hbm>>
      %dma_start3A_94 = arith.constant 0 : i32
      %dma_start3A_95 = tpu.memref_slice %arg8[%add3A_91, %dma_start3A_94] : memref<163840x128xf32, #tpu.memory_space<hbm>> -> memref<128x128xf32, #tpu.memory_space<hbm>>
      tpu.enqueue_dma source(%arg15 : memref<128x128xf32, #tpu.memory_space<vmem>>) target(%dma_start3A_95 : memref<128x128xf32, #tpu.memory_space<hbm>>) target_semaphore(%arg25 : memref<!tpu.dma_semaphore, #tpu.memory_space<semaphore_mem>>)
      %mul3A_96 = arith.constant 2 : i32
      %mul3A_97 = arith.muli %mul3A_96, %add3A_46 : i32
      %add3A_98 = arith.constant 1 : i32
      %add3A_99 = arith.addi %mul3A_97, %add3A_98 : i32
      %ge3A_100 = arith.constant 1 : i32
      %ge3A_101 = arith.cmpi sge, %add3A_99, %ge3A_100 : i32
      %convert_element_type3A_102 = arith.extui %ge3A_101 : i1 to i32
      %cond3A_103 = arith.constant 0 : i32
      %cond3A_104 = arith.cmpi ne, %convert_element_type3A_102, %cond3A_103 : i32
      scf.if %cond3A_104 {
        %dma_wait3A_149 = arith.constant 0 : i32
        %dma_wait3A_150 = arith.constant 0 : i32
        %dma_wait3A_151 = tpu.memref_slice %arg2[%dma_wait3A_149, %dma_wait3A_150] : memref<100000x128xf32, #tpu.memory_space<hbm>> -> memref<128x128xf32, #tpu.memory_space<hbm>>
        %dma_wait3A_152 = arith.constant 0 : i32
        %dma_wait3A_153 = arith.constant 0 : i32
        %dma_wait3A_154 = tpu.memref_slice %arg2[%dma_wait3A_152, %dma_wait3A_153] : memref<100000x128xf32, #tpu.memory_space<hbm>> -> memref<128x128xf32, #tpu.memory_space<hbm>>
        tpu.wait_dma2 semaphore(%arg25 : memref<!tpu.dma_semaphore, #tpu.memory_space<semaphore_mem>>) src(%dma_wait3A_154 : memref<128x128xf32, #tpu.memory_space<hbm>>) dst(%arg15 : memref<128x128xf32, #tpu.memory_space<vmem>>)
      } else {
      }
      %add3A_105 = arith.constant 1 : i32
      %add3A_106 = arith.addi %add3A_99, %add3A_105 : i32
      %lt3A_107 = arith.constant 40 : i32
      %lt3A_108 = arith.cmpi slt, %add3A_106, %lt3A_107 : i32
      %convert_element_type3A_109 = arith.extui %lt3A_108 : i1 to i32
      %cond3A_110 = arith.constant 0 : i32
      %cond3A_111 = arith.cmpi ne, %convert_element_type3A_109, %cond3A_110 : i32
      scf.if %cond3A_111 {
        %dma_wait3A_149 = tpu.memref_slice %arg5[%mul3A_2] : memref<163840xi32, #tpu.memory_space<hbm>> -> memref<128xi32, #tpu.memory_space<hbm>>
        %dma_wait3A_150 = tpu.memref_slice %arg5[%mul3A_2] : memref<163840xi32, #tpu.memory_space<hbm>> -> memref<128xi32, #tpu.memory_space<hbm>>
        tpu.wait_dma2 semaphore(%arg21 : memref<!tpu.dma_semaphore, #tpu.memory_space<semaphore_mem>>) src(%dma_wait3A_150 : memref<128xi32, #tpu.memory_space<hbm>>) dst(%arg9 : memref<128xi32, #tpu.memory_space<vmem>>)
        %dma_wait3A_151 = tpu.memref_slice %arg6[%mul3A_2] : memref<163840xi32, #tpu.memory_space<hbm>> -> memref<128xi32, #tpu.memory_space<hbm>>
        %dma_wait3A_152 = tpu.memref_slice %arg6[%mul3A_2] : memref<163840xi32, #tpu.memory_space<hbm>> -> memref<128xi32, #tpu.memory_space<hbm>>
        tpu.wait_dma2 semaphore(%arg21 : memref<!tpu.dma_semaphore, #tpu.memory_space<semaphore_mem>>) src(%dma_wait3A_152 : memref<128xi32, #tpu.memory_space<hbm>>) dst(%arg10 : memref<128xi32, #tpu.memory_space<vmem>>)
        %dma_wait3A_153 = tpu.memref_slice %arg7[%mul3A_2] : memref<163840xi32, #tpu.memory_space<hbm>> -> memref<128xi32, #tpu.memory_space<hbm>>
        %dma_wait3A_154 = tpu.memref_slice %arg7[%mul3A_2] : memref<163840xi32, #tpu.memory_space<hbm>> -> memref<128xi32, #tpu.memory_space<hbm>>
        tpu.wait_dma2 semaphore(%arg21 : memref<!tpu.dma_semaphore, #tpu.memory_space<semaphore_mem>>) src(%dma_wait3A_154 : memref<128xi32, #tpu.memory_space<hbm>>) dst(%arg11 : memref<128xi32, #tpu.memory_space<vmem>>)
        %dma_start3A_155 = arith.constant 0 : i32
        %dma_start3A_156 = arith.constant 0 : i32
        %dma_start3A_157 = tpu.memref_slice %arg2[%dma_start3A_155, %dma_start3A_156] : memref<100000x128xf32, #tpu.memory_space<hbm>> -> memref<100000x128xf32, #tpu.memory_space<hbm>>
        tpu.enqueue_indirect_dma source(%dma_start3A_157 : memref<100000x128xf32, #tpu.memory_space<hbm>>) target(%arg15 : memref<128x128xf32, #tpu.memory_space<vmem>>) offsets(%arg9 : memref<128xi32, #tpu.memory_space<vmem>>) semaphore(%arg23 : memref<!tpu.dma_semaphore, #tpu.memory_space<semaphore_mem>>)
        %dma_start3A_158 = arith.constant 0 : i32
        %dma_start3A_159 = arith.constant 0 : i32
        %dma_start3A_160 = tpu.memref_slice %arg3[%dma_start3A_158, %dma_start3A_159] : memref<100000x128xf32, #tpu.memory_space<hbm>> -> memref<100000x128xf32, #tpu.memory_space<hbm>>
        tpu.enqueue_indirect_dma source(%dma_start3A_160 : memref<100000x128xf32, #tpu.memory_space<hbm>>) target(%arg16 : memref<128x128xf32, #tpu.memory_space<vmem>>) offsets(%arg10 : memref<128xi32, #tpu.memory_space<vmem>>) semaphore(%arg23 : memref<!tpu.dma_semaphore, #tpu.memory_space<semaphore_mem>>)
        %dma_start3A_161 = arith.constant 0 : i32
        %dma_start3A_162 = arith.constant 0 : i32
        %dma_start3A_163 = tpu.memref_slice %arg4[%dma_start3A_161, %dma_start3A_162] : memref<100000x128xf32, #tpu.memory_space<hbm>> -> memref<100000x128xf32, #tpu.memory_space<hbm>>
        tpu.enqueue_indirect_dma source(%dma_start3A_163 : memref<100000x128xf32, #tpu.memory_space<hbm>>) target(%arg17 : memref<128x128xf32, #tpu.memory_space<vmem>>) offsets(%arg11 : memref<128xi32, #tpu.memory_space<vmem>>) semaphore(%arg23 : memref<!tpu.dma_semaphore, #tpu.memory_space<semaphore_mem>>)
      } else {
      }
      %dma_wait3A_112 = arith.constant 0 : i32
      %dma_wait3A_113 = arith.constant 0 : i32
      %dma_wait3A_114 = tpu.memref_slice %arg2[%dma_wait3A_112, %dma_wait3A_113] : memref<100000x128xf32, #tpu.memory_space<hbm>> -> memref<128x128xf32, #tpu.memory_space<hbm>>
      %dma_wait3A_115 = arith.constant 0 : i32
      %dma_wait3A_116 = arith.constant 0 : i32
      %dma_wait3A_117 = tpu.memref_slice %arg2[%dma_wait3A_115, %dma_wait3A_116] : memref<100000x128xf32, #tpu.memory_space<hbm>> -> memref<128x128xf32, #tpu.memory_space<hbm>>
      tpu.wait_dma2 semaphore(%arg24 : memref<!tpu.dma_semaphore, #tpu.memory_space<semaphore_mem>>) src(%dma_wait3A_117 : memref<128x128xf32, #tpu.memory_space<hbm>>) dst(%arg18 : memref<128x128xf32, #tpu.memory_space<vmem>>)
      %dma_wait3A_118 = arith.constant 0 : i32
      %dma_wait3A_119 = arith.constant 0 : i32
      %dma_wait3A_120 = tpu.memref_slice %arg3[%dma_wait3A_118, %dma_wait3A_119] : memref<100000x128xf32, #tpu.memory_space<hbm>> -> memref<128x128xf32, #tpu.memory_space<hbm>>
      %dma_wait3A_121 = arith.constant 0 : i32
      %dma_wait3A_122 = arith.constant 0 : i32
      %dma_wait3A_123 = tpu.memref_slice %arg3[%dma_wait3A_121, %dma_wait3A_122] : memref<100000x128xf32, #tpu.memory_space<hbm>> -> memref<128x128xf32, #tpu.memory_space<hbm>>
      tpu.wait_dma2 semaphore(%arg24 : memref<!tpu.dma_semaphore, #tpu.memory_space<semaphore_mem>>) src(%dma_wait3A_123 : memref<128x128xf32, #tpu.memory_space<hbm>>) dst(%arg19 : memref<128x128xf32, #tpu.memory_space<vmem>>)
      %dma_wait3A_124 = arith.constant 0 : i32
      %dma_wait3A_125 = arith.constant 0 : i32
      %dma_wait3A_126 = tpu.memref_slice %arg4[%dma_wait3A_124, %dma_wait3A_125] : memref<100000x128xf32, #tpu.memory_space<hbm>> -> memref<128x128xf32, #tpu.memory_space<hbm>>
      %dma_wait3A_127 = arith.constant 0 : i32
      %dma_wait3A_128 = arith.constant 0 : i32
      %dma_wait3A_129 = tpu.memref_slice %arg4[%dma_wait3A_127, %dma_wait3A_128] : memref<100000x128xf32, #tpu.memory_space<hbm>> -> memref<128x128xf32, #tpu.memory_space<hbm>>
      tpu.wait_dma2 semaphore(%arg24 : memref<!tpu.dma_semaphore, #tpu.memory_space<semaphore_mem>>) src(%dma_wait3A_129 : memref<128x128xf32, #tpu.memory_space<hbm>>) dst(%arg20 : memref<128x128xf32, #tpu.memory_space<vmem>>)
      %add3A_130 = arith.constant 2 : i32
      %add3A_131 = arith.addi %add3A_99, %add3A_130 : i32
      %lt3A_132 = arith.constant 40 : i32
      %lt3A_133 = arith.cmpi slt, %add3A_131, %lt3A_132 : i32
      %convert_element_type3A_134 = arith.extui %lt3A_133 : i1 to i32
      %cond3A_135 = arith.constant 0 : i32
      %cond3A_136 = arith.cmpi ne, %convert_element_type3A_134, %cond3A_135 : i32
      scf.if %cond3A_136 {
        %add3A_149 = arith.constant 2 : i32
        %add3A_150 = arith.addi %add3A_99, %add3A_149 : i32
        %mul3A_151 = arith.constant 128 : i32
        %mul3A_152 = arith.muli %add3A_150, %mul3A_151 : i32
        %add3A_153 = arith.addi %mul3A_2, %mul3A_152 : i32
        %dma_start3A_154 = tpu.memref_slice %arg5[%add3A_153] : memref<163840xi32, #tpu.memory_space<hbm>> -> memref<128xi32, #tpu.memory_space<hbm>>
        %dma_start3A_155 = tpu.memref_slice %arg5[%add3A_153] : memref<163840xi32, #tpu.memory_space<hbm>> -> memref<128xi32, #tpu.memory_space<hbm>>
        tpu.enqueue_dma source(%dma_start3A_155 : memref<128xi32, #tpu.memory_space<hbm>>) target(%arg12 : memref<128xi32, #tpu.memory_space<vmem>>) target_semaphore(%arg22 : memref<!tpu.dma_semaphore, #tpu.memory_space<semaphore_mem>>)
        %dma_start3A_156 = tpu.memref_slice %arg6[%add3A_153] : memref<163840xi32, #tpu.memory_space<hbm>> -> memref<128xi32, #tpu.memory_space<hbm>>
        %dma_start3A_157 = tpu.memref_slice %arg6[%add3A_153] : memref<163840xi32, #tpu.memory_space<hbm>> -> memref<128xi32, #tpu.memory_space<hbm>>
        tpu.enqueue_dma source(%dma_start3A_157 : memref<128xi32, #tpu.memory_space<hbm>>) target(%arg13 : memref<128xi32, #tpu.memory_space<vmem>>) target_semaphore(%arg22 : memref<!tpu.dma_semaphore, #tpu.memory_space<semaphore_mem>>)
        %dma_start3A_158 = tpu.memref_slice %arg7[%add3A_153] : memref<163840xi32, #tpu.memory_space<hbm>> -> memref<128xi32, #tpu.memory_space<hbm>>
        %dma_start3A_159 = tpu.memref_slice %arg7[%add3A_153] : memref<163840xi32, #tpu.memory_space<hbm>> -> memref<128xi32, #tpu.memory_space<hbm>>
        tpu.enqueue_dma source(%dma_start3A_159 : memref<128xi32, #tpu.memory_space<hbm>>) target(%arg14 : memref<128xi32, #tpu.memory_space<vmem>>) target_semaphore(%arg22 : memref<!tpu.dma_semaphore, #tpu.memory_space<semaphore_mem>>)
      } else {
      }
      %scan3A_137 = arith.constant 0 : i32
      %scan3A_138 = arith.constant 128 : i32
      %scan3A_139 = arith.addi %scan3A_137, %scan3A_138 : i32
      %scan3A_140 = arith.constant 1 : i32
      scf.for %scan3A_149 = %scan3A_137 to %scan3A_139 step %scan3A_140  : i32 {
        %mul3A_150 = arith.constant 1 : i32
        %mul3A_151 = arith.muli %scan3A_149, %mul3A_150 : i32
        %add3A_152 = arith.constant 0 : i32
        %add3A_153 = arith.addi %add3A_152, %mul3A_151 : i32
        %get3A = arith.index_cast %add3A_153 : i32 to index
        %get3A_154 = arith.constant 0 : index
        %get3A_155 = tpu.vector_load %arg18[%get3A, %get3A_154] {strides = array<i32>} : memref<128x128xf32, #tpu.memory_space<vmem>>, vector<1x16xf32>,
        %get3A_156 = vector.shape_cast %get3A_155 : vector<1x16xf32> to vector<1x16xf32>
        %get3A_157 = arith.index_cast %add3A_153 : i32 to index
        %get3A_158 = arith.constant 0 : index
        %get3A_159 = tpu.vector_load %arg19[%get3A_157, %get3A_158] {strides = array<i32>} : memref<128x128xf32, #tpu.memory_space<vmem>>, vector<1x16xf32>,
        %get3A_160 = vector.shape_cast %get3A_159 : vector<1x16xf32> to vector<1x16xf32>
        %add3A_161 = arith.addf %get3A_156, %get3A_160 : vector<1x16xf32>
        %get3A_162 = arith.index_cast %add3A_153 : i32 to index
        %get3A_163 = arith.constant 0 : index
        %get3A_164 = tpu.vector_load %arg20[%get3A_162, %get3A_163] {strides = array<i32>} : memref<128x128xf32, #tpu.memory_space<vmem>>, vector<1x16xf32>,
        %get3A_165 = vector.shape_cast %get3A_164 : vector<1x16xf32> to vector<1x16xf32>
        %add3A_166 = arith.addf %add3A_161, %get3A_165 : vector<1x16xf32>
        %swap3A = arith.index_cast %add3A_153 : i32 to index
        %swap3A_167 = arith.constant 0 : index
        %swap3A_168 = tpu.vector_load %arg18[%swap3A, %swap3A_167] {strides = array<i32>} : memref<128x128xf32, #tpu.memory_space<vmem>>, vector<1x16xf32>,
        %swap3A_169 = vector.shape_cast %swap3A_168 : vector<1x16xf32> to vector<1x16xf32>
        %swap3A_170 = vector.shape_cast %add3A_166 : vector<1x16xf32> to vector<1x16xf32>
        tpu.vector_store %arg18[%swap3A, %swap3A_167], %swap3A_170 {strides = array<i32>} : memref<128x128xf32, #tpu.memory_space<vmem>>, vector<1x16xf32>,
        %get3A_171 = arith.index_cast %add3A_153 : i32 to index
        %get3A_172 = arith.constant 16 : index
        %get3A_173 = tpu.vector_load %arg18[%get3A_171, %get3A_172] {strides = array<i32>} : memref<128x128xf32, #tpu.memory_space<vmem>>, vector<1x16xf32>,
        %get3A_174 = vector.shape_cast %get3A_173 : vector<1x16xf32> to vector<1x16xf32>
        %get3A_175 = arith.index_cast %add3A_153 : i32 to index
        %get3A_176 = arith.constant 16 : index
        %get3A_177 = tpu.vector_load %arg19[%get3A_175, %get3A_176] {strides = array<i32>} : memref<128x128xf32, #tpu.memory_space<vmem>>, vector<1x16xf32>,
        %get3A_178 = vector.shape_cast %get3A_177 : vector<1x16xf32> to vector<1x16xf32>
        %add3A_179 = arith.addf %get3A_174, %get3A_178 : vector<1x16xf32>
        %get3A_180 = arith.index_cast %add3A_153 : i32 to index
        %get3A_181 = arith.constant 16 : index
        %get3A_182 = tpu.vector_load %arg20[%get3A_180, %get3A_181] {strides = array<i32>} : memref<128x128xf32, #tpu.memory_space<vmem>>, vector<1x16xf32>,
        %get3A_183 = vector.shape_cast %get3A_182 : vector<1x16xf32> to vector<1x16xf32>
        %add3A_184 = arith.addf %add3A_179, %get3A_183 : vector<1x16xf32>
        %swap3A_185 = arith.index_cast %add3A_153 : i32 to index
        %swap3A_186 = arith.constant 16 : index
        %swap3A_187 = tpu.vector_load %arg18[%swap3A_185, %swap3A_186] {strides = array<i32>} : memref<128x128xf32, #tpu.memory_space<vmem>>, vector<1x16xf32>,
        %swap3A_188 = vector.shape_cast %swap3A_187 : vector<1x16xf32> to vector<1x16xf32>
        %swap3A_189 = vector.shape_cast %add3A_184 : vector<1x16xf32> to vector<1x16xf32>
        tpu.vector_store %arg18[%swap3A_185, %swap3A_186], %swap3A_189 {strides = array<i32>} : memref<128x128xf32, #tpu.memory_space<vmem>>, vector<1x16xf32>,
        %get3A_190 = arith.index_cast %add3A_153 : i32 to index
        %get3A_191 = arith.constant 32 : index
        %get3A_192 = tpu.vector_load %arg18[%get3A_190, %get3A_191] {strides = array<i32>} : memref<128x128xf32, #tpu.memory_space<vmem>>, vector<1x16xf32>,
        %get3A_193 = vector.shape_cast %get3A_192 : vector<1x16xf32> to vector<1x16xf32>
        %get3A_194 = arith.index_cast %add3A_153 : i32 to index
        %get3A_195 = arith.constant 32 : index
        %get3A_196 = tpu.vector_load %arg19[%get3A_194, %get3A_195] {strides = array<i32>} : memref<128x128xf32, #tpu.memory_space<vmem>>, vector<1x16xf32>,
        %get3A_197 = vector.shape_cast %get3A_196 : vector<1x16xf32> to vector<1x16xf32>
        %add3A_198 = arith.addf %get3A_193, %get3A_197 : vector<1x16xf32>
        %get3A_199 = arith.index_cast %add3A_153 : i32 to index
        %get3A_200 = arith.constant 32 : index
        %get3A_201 = tpu.vector_load %arg20[%get3A_199, %get3A_200] {strides = array<i32>} : memref<128x128xf32, #tpu.memory_space<vmem>>, vector<1x16xf32>,
        %get3A_202 = vector.shape_cast %get3A_201 : vector<1x16xf32> to vector<1x16xf32>
        %add3A_203 = arith.addf %add3A_198, %get3A_202 : vector<1x16xf32>
        %swap3A_204 = arith.index_cast %add3A_153 : i32 to index
        %swap3A_205 = arith.constant 32 : index
        %swap3A_206 = tpu.vector_load %arg18[%swap3A_204, %swap3A_205] {strides = array<i32>} : memref<128x128xf32, #tpu.memory_space<vmem>>, vector<1x16xf32>,
        %swap3A_207 = vector.shape_cast %swap3A_206 : vector<1x16xf32> to vector<1x16xf32>
        %swap3A_208 = vector.shape_cast %add3A_203 : vector<1x16xf32> to vector<1x16xf32>
        tpu.vector_store %arg18[%swap3A_204, %swap3A_205], %swap3A_208 {strides = array<i32>} : memref<128x128xf32, #tpu.memory_space<vmem>>, vector<1x16xf32>,
        %get3A_209 = arith.index_cast %add3A_153 : i32 to index
        %get3A_210 = arith.constant 48 : index
        %get3A_211 = tpu.vector_load %arg18[%get3A_209, %get3A_210] {strides = array<i32>} : memref<128x128xf32, #tpu.memory_space<vmem>>, vector<1x16xf32>,
        %get3A_212 = vector.shape_cast %get3A_211 : vector<1x16xf32> to vector<1x16xf32>
        %get3A_213 = arith.index_cast %add3A_153 : i32 to index
        %get3A_214 = arith.constant 48 : index
        %get3A_215 = tpu.vector_load %arg19[%get3A_213, %get3A_214] {strides = array<i32>} : memref<128x128xf32, #tpu.memory_space<vmem>>, vector<1x16xf32>,
        %get3A_216 = vector.shape_cast %get3A_215 : vector<1x16xf32> to vector<1x16xf32>
        %add3A_217 = arith.addf %get3A_212, %get3A_216 : vector<1x16xf32>
        %get3A_218 = arith.index_cast %add3A_153 : i32 to index
        %get3A_219 = arith.constant 48 : index
        %get3A_220 = tpu.vector_load %arg20[%get3A_218, %get3A_219] {strides = array<i32>} : memref<128x128xf32, #tpu.memory_space<vmem>>, vector<1x16xf32>,
        %get3A_221 = vector.shape_cast %get3A_220 : vector<1x16xf32> to vector<1x16xf32>
        %add3A_222 = arith.addf %add3A_217, %get3A_221 : vector<1x16xf32>
        %swap3A_223 = arith.index_cast %add3A_153 : i32 to index
        %swap3A_224 = arith.constant 48 : index
        %swap3A_225 = tpu.vector_load %arg18[%swap3A_223, %swap3A_224] {strides = array<i32>} : memref<128x128xf32, #tpu.memory_space<vmem>>, vector<1x16xf32>,
        %swap3A_226 = vector.shape_cast %swap3A_225 : vector<1x16xf32> to vector<1x16xf32>
        %swap3A_227 = vector.shape_cast %add3A_222 : vector<1x16xf32> to vector<1x16xf32>
        tpu.vector_store %arg18[%swap3A_223, %swap3A_224], %swap3A_227 {strides = array<i32>} : memref<128x128xf32, #tpu.memory_space<vmem>>, vector<1x16xf32>,
        %get3A_228 = arith.index_cast %add3A_153 : i32 to index
        %get3A_229 = arith.constant 64 : index
        %get3A_230 = tpu.vector_load %arg18[%get3A_228, %get3A_229] {strides = array<i32>} : memref<128x128xf32, #tpu.memory_space<vmem>>, vector<1x16xf32>,
        %get3A_231 = vector.shape_cast %get3A_230 : vector<1x16xf32> to vector<1x16xf32>
        %get3A_232 = arith.index_cast %add3A_153 : i32 to index
        %get3A_233 = arith.constant 64 : index
        %get3A_234 = tpu.vector_load %arg19[%get3A_232, %get3A_233] {strides = array<i32>} : memref<128x128xf32, #tpu.memory_space<vmem>>, vector<1x16xf32>,
        %get3A_235 = vector.shape_cast %get3A_234 : vector<1x16xf32> to vector<1x16xf32>
        %add3A_236 = arith.addf %get3A_231, %get3A_235 : vector<1x16xf32>
        %get3A_237 = arith.index_cast %add3A_153 : i32 to index
        %get3A_238 = arith.constant 64 : index
        %get3A_239 = tpu.vector_load %arg20[%get3A_237, %get3A_238] {strides = array<i32>} : memref<128x128xf32, #tpu.memory_space<vmem>>, vector<1x16xf32>,
        %get3A_240 = vector.shape_cast %get3A_239 : vector<1x16xf32> to vector<1x16xf32>
        %add3A_241 = arith.addf %add3A_236, %get3A_240 : vector<1x16xf32>
        %swap3A_242 = arith.index_cast %add3A_153 : i32 to index
        %swap3A_243 = arith.constant 64 : index
        %swap3A_244 = tpu.vector_load %arg18[%swap3A_242, %swap3A_243] {strides = array<i32>} : memref<128x128xf32, #tpu.memory_space<vmem>>, vector<1x16xf32>,
        %swap3A_245 = vector.shape_cast %swap3A_244 : vector<1x16xf32> to vector<1x16xf32>
        %swap3A_246 = vector.shape_cast %add3A_241 : vector<1x16xf32> to vector<1x16xf32>
        tpu.vector_store %arg18[%swap3A_242, %swap3A_243], %swap3A_246 {strides = array<i32>} : memref<128x128xf32, #tpu.memory_space<vmem>>, vector<1x16xf32>,
        %get3A_247 = arith.index_cast %add3A_153 : i32 to index
        %get3A_248 = arith.constant 80 : index
        %get3A_249 = tpu.vector_load %arg18[%get3A_247, %get3A_248] {strides = array<i32>} : memref<128x128xf32, #tpu.memory_space<vmem>>, vector<1x16xf32>,
        %get3A_250 = vector.shape_cast %get3A_249 : vector<1x16xf32> to vector<1x16xf32>
        %get3A_251 = arith.index_cast %add3A_153 : i32 to index
        %get3A_252 = arith.constant 80 : index
        %get3A_253 = tpu.vector_load %arg19[%get3A_251, %get3A_252] {strides = array<i32>} : memref<128x128xf32, #tpu.memory_space<vmem>>, vector<1x16xf32>,
        %get3A_254 = vector.shape_cast %get3A_253 : vector<1x16xf32> to vector<1x16xf32>
        %add3A_255 = arith.addf %get3A_250, %get3A_254 : vector<1x16xf32>
        %get3A_256 = arith.index_cast %add3A_153 : i32 to index
        %get3A_257 = arith.constant 80 : index
        %get3A_258 = tpu.vector_load %arg20[%get3A_256, %get3A_257] {strides = array<i32>} : memref<128x128xf32, #tpu.memory_space<vmem>>, vector<1x16xf32>,
        %get3A_259 = vector.shape_cast %get3A_258 : vector<1x16xf32> to vector<1x16xf32>
        %add3A_260 = arith.addf %add3A_255, %get3A_259 : vector<1x16xf32>
        %swap3A_261 = arith.index_cast %add3A_153 : i32 to index
        %swap3A_262 = arith.constant 80 : index
        %swap3A_263 = tpu.vector_load %arg18[%swap3A_261, %swap3A_262] {strides = array<i32>} : memref<128x128xf32, #tpu.memory_space<vmem>>, vector<1x16xf32>,
        %swap3A_264 = vector.shape_cast %swap3A_263 : vector<1x16xf32> to vector<1x16xf32>
        %swap3A_265 = vector.shape_cast %add3A_260 : vector<1x16xf32> to vector<1x16xf32>
        tpu.vector_store %arg18[%swap3A_261, %swap3A_262], %swap3A_265 {strides = array<i32>} : memref<128x128xf32, #tpu.memory_space<vmem>>, vector<1x16xf32>,
        %get3A_266 = arith.index_cast %add3A_153 : i32 to index
        %get3A_267 = arith.constant 96 : index
        %get3A_268 = tpu.vector_load %arg18[%get3A_266, %get3A_267] {strides = array<i32>} : memref<128x128xf32, #tpu.memory_space<vmem>>, vector<1x16xf32>,
        %get3A_269 = vector.shape_cast %get3A_268 : vector<1x16xf32> to vector<1x16xf32>
        %get3A_270 = arith.index_cast %add3A_153 : i32 to index
        %get3A_271 = arith.constant 96 : index
        %get3A_272 = tpu.vector_load %arg19[%get3A_270, %get3A_271] {strides = array<i32>} : memref<128x128xf32, #tpu.memory_space<vmem>>, vector<1x16xf32>,
        %get3A_273 = vector.shape_cast %get3A_272 : vector<1x16xf32> to vector<1x16xf32>
        %add3A_274 = arith.addf %get3A_269, %get3A_273 : vector<1x16xf32>
        %get3A_275 = arith.index_cast %add3A_153 : i32 to index
        %get3A_276 = arith.constant 96 : index
        %get3A_277 = tpu.vector_load %arg20[%get3A_275, %get3A_276] {strides = array<i32>} : memref<128x128xf32, #tpu.memory_space<vmem>>, vector<1x16xf32>,
        %get3A_278 = vector.shape_cast %get3A_277 : vector<1x16xf32> to vector<1x16xf32>
        %add3A_279 = arith.addf %add3A_274, %get3A_278 : vector<1x16xf32>
        %swap3A_280 = arith.index_cast %add3A_153 : i32 to index
        %swap3A_281 = arith.constant 96 : index
        %swap3A_282 = tpu.vector_load %arg18[%swap3A_280, %swap3A_281] {strides = array<i32>} : memref<128x128xf32, #tpu.memory_space<vmem>>, vector<1x16xf32>,
        %swap3A_283 = vector.shape_cast %swap3A_282 : vector<1x16xf32> to vector<1x16xf32>
        %swap3A_284 = vector.shape_cast %add3A_279 : vector<1x16xf32> to vector<1x16xf32>
        tpu.vector_store %arg18[%swap3A_280, %swap3A_281], %swap3A_284 {strides = array<i32>} : memref<128x128xf32, #tpu.memory_space<vmem>>, vector<1x16xf32>,
        %get3A_285 = arith.index_cast %add3A_153 : i32 to index
        %get3A_286 = arith.constant 112 : index
        %get3A_287 = tpu.vector_load %arg18[%get3A_285, %get3A_286] {strides = array<i32>} : memref<128x128xf32, #tpu.memory_space<vmem>>, vector<1x16xf32>,
        %get3A_288 = vector.shape_cast %get3A_287 : vector<1x16xf32> to vector<1x16xf32>
        %get3A_289 = arith.index_cast %add3A_153 : i32 to index
        %get3A_290 = arith.constant 112 : index
        %get3A_291 = tpu.vector_load %arg19[%get3A_289, %get3A_290] {strides = array<i32>} : memref<128x128xf32, #tpu.memory_space<vmem>>, vector<1x16xf32>,
        %get3A_292 = vector.shape_cast %get3A_291 : vector<1x16xf32> to vector<1x16xf32>
        %add3A_293 = arith.addf %get3A_288, %get3A_292 : vector<1x16xf32>
        %get3A_294 = arith.index_cast %add3A_153 : i32 to index
        %get3A_295 = arith.constant 112 : index
        %get3A_296 = tpu.vector_load %arg20[%get3A_294, %get3A_295] {strides = array<i32>} : memref<128x128xf32, #tpu.memory_space<vmem>>, vector<1x16xf32>,
        %get3A_297 = vector.shape_cast %get3A_296 : vector<1x16xf32> to vector<1x16xf32>
        %add3A_298 = arith.addf %add3A_293, %get3A_297 : vector<1x16xf32>
        %swap3A_299 = arith.index_cast %add3A_153 : i32 to index
        %swap3A_300 = arith.constant 112 : index
        %swap3A_301 = tpu.vector_load %arg18[%swap3A_299, %swap3A_300] {strides = array<i32>} : memref<128x128xf32, #tpu.memory_space<vmem>>, vector<1x16xf32>,
        %swap3A_302 = vector.shape_cast %swap3A_301 : vector<1x16xf32> to vector<1x16xf32>
        %swap3A_303 = vector.shape_cast %add3A_298 : vector<1x16xf32> to vector<1x16xf32>
        tpu.vector_store %arg18[%swap3A_299, %swap3A_300], %swap3A_303 {strides = array<i32>} : memref<128x128xf32, #tpu.memory_space<vmem>>, vector<1x16xf32>,
      }
      %scan3A_141 = arith.constant 128 : i32
      %mul3A_142 = arith.constant 128 : i32
      %mul3A_143 = arith.muli %add3A_99, %mul3A_142 : i32
      %add3A_144 = arith.addi %mul3A_2, %mul3A_143 : i32
      %dma_start3A_145 = arith.constant 0 : i32
      %dma_start3A_146 = tpu.memref_slice %arg8[%add3A_144, %dma_start3A_145] : memref<163840x128xf32, #tpu.memory_space<hbm>> -> memref<128x128xf32, #tpu.memory_space<hbm>>
      %dma_start3A_147 = arith.constant 0 : i32
      %dma_start3A_148 = tpu.memref_slice %arg8[%add3A_144, %dma_start3A_147] : memref<163840x128xf32, #tpu.memory_space<hbm>> -> memref<128x128xf32, #tpu.memory_space<hbm>>
      tpu.enqueue_dma source(%arg18 : memref<128x128xf32, #tpu.memory_space<vmem>>) target(%dma_start3A_148 : memref<128x128xf32, #tpu.memory_space<hbm>>) target_semaphore(%arg26 : memref<!tpu.dma_semaphore, #tpu.memory_space<semaphore_mem>>)
    }
    %scan3A_35 = arith.constant 20 : i32
    %dma_wait3A_36 = arith.constant 0 : i32
    %dma_wait3A_37 = arith.constant 0 : i32
    %dma_wait3A_38 = tpu.memref_slice %arg2[%dma_wait3A_36, %dma_wait3A_37] : memref<100000x128xf32, #tpu.memory_space<hbm>> -> memref<128x128xf32, #tpu.memory_space<hbm>>
    %dma_wait3A_39 = arith.constant 0 : i32
    %dma_wait3A_40 = arith.constant 0 : i32
    %dma_wait3A_41 = tpu.memref_slice %arg2[%dma_wait3A_39, %dma_wait3A_40] : memref<100000x128xf32, #tpu.memory_space<hbm>> -> memref<128x128xf32, #tpu.memory_space<hbm>>
    tpu.wait_dma2 semaphore(%arg26 : memref<!tpu.dma_semaphore, #tpu.memory_space<semaphore_mem>>) src(%dma_wait3A_41 : memref<128x128xf32, #tpu.memory_space<hbm>>) dst(%arg18 : memref<128x128xf32, #tpu.memory_space<vmem>>)
    return
  }
}

#map = affine_map<(d0, d1) -> (0, 0)>
#map1 = affine_map<(d0, d1) -> (0)>
module attributes {stable_mosaic.version = 14 : i64} {
  func.func @sck(%arg0: i32, %arg1: i32, %arg2: memref<100000x128xf32, #tpu.memory_space<hbm>>, %arg3: memref<100000x128xf32, #tpu.memory_space<hbm>>, %arg4: memref<100000x128xf32, #tpu.memory_space<hbm>>, %arg5: memref<163840xi32, #tpu.memory_space<hbm>>, %arg6: memref<163840xi32, #tpu.memory_space<hbm>>, %arg7: memref<163840xi32, #tpu.memory_space<hbm>>, %arg8: memref<163840x128xf32, #tpu.memory_space<hbm>>, %arg9: memref<128xi32, #tpu.memory_space<vmem>>, %arg10: memref<128xi32, #tpu.memory_space<vmem>>, %arg11: memref<128xi32, #tpu.memory_space<vmem>>, %arg12: memref<128xi32, #tpu.memory_space<vmem>>, %arg13: memref<128xi32, #tpu.memory_space<vmem>>, %arg14: memref<128xi32, #tpu.memory_space<vmem>>, %arg15: memref<128x128xf32, #tpu.memory_space<vmem>>, %arg16: memref<128x128xf32, #tpu.memory_space<vmem>>, %arg17: memref<128x128xf32, #tpu.memory_space<vmem>>, %arg18: memref<128x128xf32, #tpu.memory_space<vmem>>, %arg19: memref<128x128xf32, #tpu.memory_space<vmem>>, %arg20: memref<128x128xf32, #tpu.memory_space<vmem>>, %arg21: memref<!tpu.dma_semaphore, #tpu.memory_space<semaphore_mem>>, %arg22: memref<!tpu.dma_semaphore, #tpu.memory_space<semaphore_mem>>, %arg23: memref<!tpu.dma_semaphore, #tpu.memory_space<semaphore_mem>>, %arg24: memref<!tpu.dma_semaphore, #tpu.memory_space<semaphore_mem>>, %arg25: memref<!tpu.dma_semaphore, #tpu.memory_space<semaphore_mem>>, %arg26: memref<!tpu.dma_semaphore, #tpu.memory_space<semaphore_mem>>) attributes {dimension_semantics = [#tpu.dimension_semantics<core_parallel>, #tpu.dimension_semantics<subcore_parallel>], iteration_bounds = array<i64: 2, 16>, scalar_prefetch = 0 : i64, scratch_operands = 18 : i64, tpu.core_type = #tpu.core_type<sc_vector_subcore>, window_params = [{transform_indices = #map}, {transform_indices = #map}, {transform_indices = #map}, {transform_indices = #map1}, {transform_indices = #map1}, {transform_indices = #map1}, {transform_indices = #map}]} {
    %mul3A = arith.constant 2 : i32
    %mul3A_0 = arith.muli %arg1, %mul3A : i32
    %add3A = arith.addi %mul3A_0, %arg0 : i32
    %mul3A_1 = arith.constant 5120 : i32
    %mul3A_2 = arith.muli %add3A, %mul3A_1 : i32
    %add3A_3 = arith.constant 0 : i32
    %add3A_4 = arith.addi %mul3A_2, %add3A_3 : i32
    %dma_start3A = tpu.memref_slice %arg5[%add3A_4] : memref<163840xi32, #tpu.memory_space<hbm>> -> memref<128xi32, #tpu.memory_space<hbm>>
    %dma_start3A_5 = tpu.memref_slice %arg5[%add3A_4] : memref<163840xi32, #tpu.memory_space<hbm>> -> memref<128xi32, #tpu.memory_space<hbm>>
    tpu.enqueue_dma source(%dma_start3A_5 : memref<128xi32, #tpu.memory_space<hbm>>) target(%arg9 : memref<128xi32, #tpu.memory_space<vmem>>) target_semaphore(%arg21 : memref<!tpu.dma_semaphore, #tpu.memory_space<semaphore_mem>>)
    %dma_start3A_6 = tpu.memref_slice %arg6[%add3A_4] : memref<163840xi32, #tpu.memory_space<hbm>> -> memref<128xi32, #tpu.memory_space<hbm>>
    %dma_start3A_7 = tpu.memref_slice %arg6[%add3A_4] : memref<163840xi32, #tpu.memory_space<hbm>> -> memref<128xi32, #tpu.memory_space<hbm>>
    tpu.enqueue_dma source(%dma_start3A_7 : memref<128xi32, #tpu.memory_space<hbm>>) target(%arg10 : memref<128xi32, #tpu.memory_space<vmem>>) target_semaphore(%arg21 : memref<!tpu.dma_semaphore, #tpu.memory_space<semaphore_mem>>)
    %dma_start3A_8 = tpu.memref_slice %arg7[%add3A_4] : memref<163840xi32, #tpu.memory_space<hbm>> -> memref<128xi32, #tpu.memory_space<hbm>>
    %dma_start3A_9 = tpu.memref_slice %arg7[%add3A_4] : memref<163840xi32, #tpu.memory_space<hbm>> -> memref<128xi32, #tpu.memory_space<hbm>>
    tpu.enqueue_dma source(%dma_start3A_9 : memref<128xi32, #tpu.memory_space<hbm>>) target(%arg11 : memref<128xi32, #tpu.memory_space<vmem>>) target_semaphore(%arg21 : memref<!tpu.dma_semaphore, #tpu.memory_space<semaphore_mem>>)
    %dma_wait3A = tpu.memref_slice %arg5[%mul3A_2] : memref<163840xi32, #tpu.memory_space<hbm>> -> memref<128xi32, #tpu.memory_space<hbm>>
    %dma_wait3A_10 = tpu.memref_slice %arg5[%mul3A_2] : memref<163840xi32, #tpu.memory_space<hbm>> -> memref<128xi32, #tpu.memory_space<hbm>>
    tpu.wait_dma2 semaphore(%arg21 : memref<!tpu.dma_semaphore, #tpu.memory_space<semaphore_mem>>) src(%dma_wait3A_10 : memref<128xi32, #tpu.memory_space<hbm>>) dst(%arg9 : memref<128xi32, #tpu.memory_space<vmem>>)
    %dma_wait3A_11 = tpu.memref_slice %arg6[%mul3A_2] : memref<163840xi32, #tpu.memory_space<hbm>> -> memref<128xi32, #tpu.memory_space<hbm>>
    %dma_wait3A_12 = tpu.memref_slice %arg6[%mul3A_2] : memref<163840xi32, #tpu.memory_space<hbm>> -> memref<128xi32, #tpu.memory_space<hbm>>
    tpu.wait_dma2 semaphore(%arg21 : memref<!tpu.dma_semaphore, #tpu.memory_space<semaphore_mem>>) src(%dma_wait3A_12 : memref<128xi32, #tpu.memory_space<hbm>>) dst(%arg10 : memref<128xi32, #tpu.memory_space<vmem>>)
    %dma_wait3A_13 = tpu.memref_slice %arg7[%mul3A_2] : memref<163840xi32, #tpu.memory_space<hbm>> -> memref<128xi32, #tpu.memory_space<hbm>>
    %dma_wait3A_14 = tpu.memref_slice %arg7[%mul3A_2] : memref<163840xi32, #tpu.memory_space<hbm>> -> memref<128xi32, #tpu.memory_space<hbm>>
    tpu.wait_dma2 semaphore(%arg21 : memref<!tpu.dma_semaphore, #tpu.memory_space<semaphore_mem>>) src(%dma_wait3A_14 : memref<128xi32, #tpu.memory_space<hbm>>) dst(%arg11 : memref<128xi32, #tpu.memory_space<vmem>>)
    %dma_start3A_15 = arith.constant 0 : i32
    %dma_start3A_16 = arith.constant 0 : i32
    %dma_start3A_17 = tpu.memref_slice %arg2[%dma_start3A_15, %dma_start3A_16] : memref<100000x128xf32, #tpu.memory_space<hbm>> -> memref<100000x128xf32, #tpu.memory_space<hbm>>
    tpu.enqueue_indirect_dma source(%dma_start3A_17 : memref<100000x128xf32, #tpu.memory_space<hbm>>) target(%arg15 : memref<128x128xf32, #tpu.memory_space<vmem>>) offsets(%arg9 : memref<128xi32, #tpu.memory_space<vmem>>) semaphore(%arg23 : memref<!tpu.dma_semaphore, #tpu.memory_space<semaphore_mem>>)
    %dma_start3A_18 = arith.constant 0 : i32
    %dma_start3A_19 = arith.constant 0 : i32
    %dma_start3A_20 = tpu.memref_slice %arg3[%dma_start3A_18, %dma_start3A_19] : memref<100000x128xf32, #tpu.memory_space<hbm>> -> memref<100000x128xf32, #tpu.memory_space<hbm>>
    tpu.enqueue_indirect_dma source(%dma_start3A_20 : memref<100000x128xf32, #tpu.memory_space<hbm>>) target(%arg16 : memref<128x128xf32, #tpu.memory_space<vmem>>) offsets(%arg10 : memref<128xi32, #tpu.memory_space<vmem>>) semaphore(%arg23 : memref<!tpu.dma_semaphore, #tpu.memory_space<semaphore_mem>>)
    %dma_start3A_21 = arith.constant 0 : i32
    %dma_start3A_22 = arith.constant 0 : i32
    %dma_start3A_23 = tpu.memref_slice %arg4[%dma_start3A_21, %dma_start3A_22] : memref<100000x128xf32, #tpu.memory_space<hbm>> -> memref<100000x128xf32, #tpu.memory_space<hbm>>
    tpu.enqueue_indirect_dma source(%dma_start3A_23 : memref<100000x128xf32, #tpu.memory_space<hbm>>) target(%arg17 : memref<128x128xf32, #tpu.memory_space<vmem>>) offsets(%arg11 : memref<128xi32, #tpu.memory_space<vmem>>) semaphore(%arg23 : memref<!tpu.dma_semaphore, #tpu.memory_space<semaphore_mem>>)
    %add3A_24 = arith.constant 128 : i32
    %add3A_25 = arith.addi %mul3A_2, %add3A_24 : i32
    %dma_start3A_26 = tpu.memref_slice %arg5[%add3A_25] : memref<163840xi32, #tpu.memory_space<hbm>> -> memref<128xi32, #tpu.memory_space<hbm>>
    %dma_start3A_27 = tpu.memref_slice %arg5[%add3A_25] : memref<163840xi32, #tpu.memory_space<hbm>> -> memref<128xi32, #tpu.memory_space<hbm>>
    tpu.enqueue_dma source(%dma_start3A_27 : memref<128xi32, #tpu.memory_space<hbm>>) target(%arg12 : memref<128xi32, #tpu.memory_space<vmem>>) target_semaphore(%arg22 : memref<!tpu.dma_semaphore, #tpu.memory_space<semaphore_mem>>)
    %dma_start3A_28 = tpu.memref_slice %arg6[%add3A_25] : memref<163840xi32, #tpu.memory_space<hbm>> -> memref<128xi32, #tpu.memory_space<hbm>>
    %dma_start3A_29 = tpu.memref_slice %arg6[%add3A_25] : memref<163840xi32, #tpu.memory_space<hbm>> -> memref<128xi32, #tpu.memory_space<hbm>>
    tpu.enqueue_dma source(%dma_start3A_29 : memref<128xi32, #tpu.memory_space<hbm>>) target(%arg13 : memref<128xi32, #tpu.memory_space<vmem>>) target_semaphore(%arg22 : memref<!tpu.dma_semaphore, #tpu.memory_space<semaphore_mem>>)
    %dma_start3A_30 = tpu.memref_slice %arg7[%add3A_25] : memref<163840xi32, #tpu.memory_space<hbm>> -> memref<128xi32, #tpu.memory_space<hbm>>
    %dma_start3A_31 = tpu.memref_slice %arg7[%add3A_25] : memref<163840xi32, #tpu.memory_space<hbm>> -> memref<128xi32, #tpu.memory_space<hbm>>
    tpu.enqueue_dma source(%dma_start3A_31 : memref<128xi32, #tpu.memory_space<hbm>>) target(%arg14 : memref<128xi32, #tpu.memory_space<vmem>>) target_semaphore(%arg22 : memref<!tpu.dma_semaphore, #tpu.memory_space<semaphore_mem>>)
    %scan3A = arith.constant 0 : i32
    %scan3A_32 = arith.constant 20 : i32
    %scan3A_33 = arith.addi %scan3A, %scan3A_32 : i32
    %scan3A_34 = arith.constant 1 : i32
    scf.for %scan3A_42 = %scan3A to %scan3A_33 step %scan3A_34  : i32 {
      %mul3A_43 = arith.constant 1 : i32
      %mul3A_44 = arith.muli %scan3A_42, %mul3A_43 : i32
      %add3A_45 = arith.constant 0 : i32
      %add3A_46 = arith.addi %add3A_45, %mul3A_44 : i32
      %mul3A_47 = arith.constant 2 : i32
      %mul3A_48 = arith.muli %mul3A_47, %add3A_46 : i32
      %add3A_49 = arith.constant 0 : i32
      %add3A_50 = arith.addi %mul3A_48, %add3A_49 : i32
      %ge3A = arith.constant 1 : i32
      %ge3A_51 = arith.cmpi sge, %add3A_50, %ge3A : i32
      %convert_element_type3A = arith.extui %ge3A_51 : i1 to i32
      %cond3A = arith.constant 0 : i32
      %cond3A_52 = arith.cmpi ne, %convert_element_type3A, %cond3A : i32
      scf.if %cond3A_52 {
        %dma_wait3A_149 = arith.constant 0 : i32
        %dma_wait3A_150 = arith.constant 0 : i32
        %dma_wait3A_151 = tpu.memref_slice %arg2[%dma_wait3A_149, %dma_wait3A_150] : memref<100000x128xf32, #tpu.memory_space<hbm>> -> memref<128x128xf32, #tpu.memory_space<hbm>>
        %dma_wait3A_152 = arith.constant 0 : i32
        %dma_wait3A_153 = arith.constant 0 : i32
        %dma_wait3A_154 = tpu.memref_slice %arg2[%dma_wait3A_152, %dma_wait3A_153] : memref<100000x128xf32, #tpu.memory_space<hbm>> -> memref<128x128xf32, #tpu.memory_space<hbm>>
        tpu.wait_dma2 semaphore(%arg26 : memref<!tpu.dma_semaphore, #tpu.memory_space<semaphore_mem>>) src(%dma_wait3A_154 : memref<128x128xf32, #tpu.memory_space<hbm>>) dst(%arg18 : memref<128x128xf32, #tpu.memory_space<vmem>>)
      } else {
      }
      %add3A_53 = arith.constant 1 : i32
      %add3A_54 = arith.addi %add3A_50, %add3A_53 : i32
      %lt3A = arith.constant 40 : i32
      %lt3A_55 = arith.cmpi slt, %add3A_54, %lt3A : i32
      %convert_element_type3A_56 = arith.extui %lt3A_55 : i1 to i32
      %cond3A_57 = arith.constant 0 : i32
      %cond3A_58 = arith.cmpi ne, %convert_element_type3A_56, %cond3A_57 : i32
      scf.if %cond3A_58 {
        %dma_wait3A_149 = tpu.memref_slice %arg5[%mul3A_2] : memref<163840xi32, #tpu.memory_space<hbm>> -> memref<128xi32, #tpu.memory_space<hbm>>
        %dma_wait3A_150 = tpu.memref_slice %arg5[%mul3A_2] : memref<163840xi32, #tpu.memory_space<hbm>> -> memref<128xi32, #tpu.memory_space<hbm>>
        tpu.wait_dma2 semaphore(%arg22 : memref<!tpu.dma_semaphore, #tpu.memory_space<semaphore_mem>>) src(%dma_wait3A_150 : memref<128xi32, #tpu.memory_space<hbm>>) dst(%arg12 : memref<128xi32, #tpu.memory_space<vmem>>)
        %dma_wait3A_151 = tpu.memref_slice %arg6[%mul3A_2] : memref<163840xi32, #tpu.memory_space<hbm>> -> memref<128xi32, #tpu.memory_space<hbm>>
        %dma_wait3A_152 = tpu.memref_slice %arg6[%mul3A_2] : memref<163840xi32, #tpu.memory_space<hbm>> -> memref<128xi32, #tpu.memory_space<hbm>>
        tpu.wait_dma2 semaphore(%arg22 : memref<!tpu.dma_semaphore, #tpu.memory_space<semaphore_mem>>) src(%dma_wait3A_152 : memref<128xi32, #tpu.memory_space<hbm>>) dst(%arg13 : memref<128xi32, #tpu.memory_space<vmem>>)
        %dma_wait3A_153 = tpu.memref_slice %arg7[%mul3A_2] : memref<163840xi32, #tpu.memory_space<hbm>> -> memref<128xi32, #tpu.memory_space<hbm>>
        %dma_wait3A_154 = tpu.memref_slice %arg7[%mul3A_2] : memref<163840xi32, #tpu.memory_space<hbm>> -> memref<128xi32, #tpu.memory_space<hbm>>
        tpu.wait_dma2 semaphore(%arg22 : memref<!tpu.dma_semaphore, #tpu.memory_space<semaphore_mem>>) src(%dma_wait3A_154 : memref<128xi32, #tpu.memory_space<hbm>>) dst(%arg14 : memref<128xi32, #tpu.memory_space<vmem>>)
        %dma_start3A_155 = arith.constant 0 : i32
        %dma_start3A_156 = arith.constant 0 : i32
        %dma_start3A_157 = tpu.memref_slice %arg2[%dma_start3A_155, %dma_start3A_156] : memref<100000x128xf32, #tpu.memory_space<hbm>> -> memref<100000x128xf32, #tpu.memory_space<hbm>>
        tpu.enqueue_indirect_dma source(%dma_start3A_157 : memref<100000x128xf32, #tpu.memory_space<hbm>>) target(%arg18 : memref<128x128xf32, #tpu.memory_space<vmem>>) offsets(%arg12 : memref<128xi32, #tpu.memory_space<vmem>>) semaphore(%arg24 : memref<!tpu.dma_semaphore, #tpu.memory_space<semaphore_mem>>)
        %dma_start3A_158 = arith.constant 0 : i32
        %dma_start3A_159 = arith.constant 0 : i32
        %dma_start3A_160 = tpu.memref_slice %arg3[%dma_start3A_158, %dma_start3A_159] : memref<100000x128xf32, #tpu.memory_space<hbm>> -> memref<100000x128xf32, #tpu.memory_space<hbm>>
        tpu.enqueue_indirect_dma source(%dma_start3A_160 : memref<100000x128xf32, #tpu.memory_space<hbm>>) target(%arg19 : memref<128x128xf32, #tpu.memory_space<vmem>>) offsets(%arg13 : memref<128xi32, #tpu.memory_space<vmem>>) semaphore(%arg24 : memref<!tpu.dma_semaphore, #tpu.memory_space<semaphore_mem>>)
        %dma_start3A_161 = arith.constant 0 : i32
        %dma_start3A_162 = arith.constant 0 : i32
        %dma_start3A_163 = tpu.memref_slice %arg4[%dma_start3A_161, %dma_start3A_162] : memref<100000x128xf32, #tpu.memory_space<hbm>> -> memref<100000x128xf32, #tpu.memory_space<hbm>>
        tpu.enqueue_indirect_dma source(%dma_start3A_163 : memref<100000x128xf32, #tpu.memory_space<hbm>>) target(%arg20 : memref<128x128xf32, #tpu.memory_space<vmem>>) offsets(%arg14 : memref<128xi32, #tpu.memory_space<vmem>>) semaphore(%arg24 : memref<!tpu.dma_semaphore, #tpu.memory_space<semaphore_mem>>)
      } else {
      }
      %dma_wait3A_59 = arith.constant 0 : i32
      %dma_wait3A_60 = arith.constant 0 : i32
      %dma_wait3A_61 = tpu.memref_slice %arg2[%dma_wait3A_59, %dma_wait3A_60] : memref<100000x128xf32, #tpu.memory_space<hbm>> -> memref<128x128xf32, #tpu.memory_space<hbm>>
      %dma_wait3A_62 = arith.constant 0 : i32
      %dma_wait3A_63 = arith.constant 0 : i32
      %dma_wait3A_64 = tpu.memref_slice %arg2[%dma_wait3A_62, %dma_wait3A_63] : memref<100000x128xf32, #tpu.memory_space<hbm>> -> memref<128x128xf32, #tpu.memory_space<hbm>>
      tpu.wait_dma2 semaphore(%arg23 : memref<!tpu.dma_semaphore, #tpu.memory_space<semaphore_mem>>) src(%dma_wait3A_64 : memref<128x128xf32, #tpu.memory_space<hbm>>) dst(%arg15 : memref<128x128xf32, #tpu.memory_space<vmem>>)
      %dma_wait3A_65 = arith.constant 0 : i32
      %dma_wait3A_66 = arith.constant 0 : i32
      %dma_wait3A_67 = tpu.memref_slice %arg3[%dma_wait3A_65, %dma_wait3A_66] : memref<100000x128xf32, #tpu.memory_space<hbm>> -> memref<128x128xf32, #tpu.memory_space<hbm>>
      %dma_wait3A_68 = arith.constant 0 : i32
      %dma_wait3A_69 = arith.constant 0 : i32
      %dma_wait3A_70 = tpu.memref_slice %arg3[%dma_wait3A_68, %dma_wait3A_69] : memref<100000x128xf32, #tpu.memory_space<hbm>> -> memref<128x128xf32, #tpu.memory_space<hbm>>
      tpu.wait_dma2 semaphore(%arg23 : memref<!tpu.dma_semaphore, #tpu.memory_space<semaphore_mem>>) src(%dma_wait3A_70 : memref<128x128xf32, #tpu.memory_space<hbm>>) dst(%arg16 : memref<128x128xf32, #tpu.memory_space<vmem>>)
      %dma_wait3A_71 = arith.constant 0 : i32
      %dma_wait3A_72 = arith.constant 0 : i32
      %dma_wait3A_73 = tpu.memref_slice %arg4[%dma_wait3A_71, %dma_wait3A_72] : memref<100000x128xf32, #tpu.memory_space<hbm>> -> memref<128x128xf32, #tpu.memory_space<hbm>>
      %dma_wait3A_74 = arith.constant 0 : i32
      %dma_wait3A_75 = arith.constant 0 : i32
      %dma_wait3A_76 = tpu.memref_slice %arg4[%dma_wait3A_74, %dma_wait3A_75] : memref<100000x128xf32, #tpu.memory_space<hbm>> -> memref<128x128xf32, #tpu.memory_space<hbm>>
      tpu.wait_dma2 semaphore(%arg23 : memref<!tpu.dma_semaphore, #tpu.memory_space<semaphore_mem>>) src(%dma_wait3A_76 : memref<128x128xf32, #tpu.memory_space<hbm>>) dst(%arg17 : memref<128x128xf32, #tpu.memory_space<vmem>>)
      %add3A_77 = arith.constant 2 : i32
      %add3A_78 = arith.addi %add3A_50, %add3A_77 : i32
      %lt3A_79 = arith.constant 40 : i32
      %lt3A_80 = arith.cmpi slt, %add3A_78, %lt3A_79 : i32
      %convert_element_type3A_81 = arith.extui %lt3A_80 : i1 to i32
      %cond3A_82 = arith.constant 0 : i32
      %cond3A_83 = arith.cmpi ne, %convert_element_type3A_81, %cond3A_82 : i32
      scf.if %cond3A_83 {
        %add3A_149 = arith.constant 2 : i32
        %add3A_150 = arith.addi %add3A_50, %add3A_149 : i32
        %mul3A_151 = arith.constant 128 : i32
        %mul3A_152 = arith.muli %add3A_150, %mul3A_151 : i32
        %add3A_153 = arith.addi %mul3A_2, %mul3A_152 : i32
        %dma_start3A_154 = tpu.memref_slice %arg5[%add3A_153] : memref<163840xi32, #tpu.memory_space<hbm>> -> memref<128xi32, #tpu.memory_space<hbm>>
        %dma_start3A_155 = tpu.memref_slice %arg5[%add3A_153] : memref<163840xi32, #tpu.memory_space<hbm>> -> memref<128xi32, #tpu.memory_space<hbm>>
        tpu.enqueue_dma source(%dma_start3A_155 : memref<128xi32, #tpu.memory_space<hbm>>) target(%arg9 : memref<128xi32, #tpu.memory_space<vmem>>) target_semaphore(%arg21 : memref<!tpu.dma_semaphore, #tpu.memory_space<semaphore_mem>>)
        %dma_start3A_156 = tpu.memref_slice %arg6[%add3A_153] : memref<163840xi32, #tpu.memory_space<hbm>> -> memref<128xi32, #tpu.memory_space<hbm>>
        %dma_start3A_157 = tpu.memref_slice %arg6[%add3A_153] : memref<163840xi32, #tpu.memory_space<hbm>> -> memref<128xi32, #tpu.memory_space<hbm>>
        tpu.enqueue_dma source(%dma_start3A_157 : memref<128xi32, #tpu.memory_space<hbm>>) target(%arg10 : memref<128xi32, #tpu.memory_space<vmem>>) target_semaphore(%arg21 : memref<!tpu.dma_semaphore, #tpu.memory_space<semaphore_mem>>)
        %dma_start3A_158 = tpu.memref_slice %arg7[%add3A_153] : memref<163840xi32, #tpu.memory_space<hbm>> -> memref<128xi32, #tpu.memory_space<hbm>>
        %dma_start3A_159 = tpu.memref_slice %arg7[%add3A_153] : memref<163840xi32, #tpu.memory_space<hbm>> -> memref<128xi32, #tpu.memory_space<hbm>>
        tpu.enqueue_dma source(%dma_start3A_159 : memref<128xi32, #tpu.memory_space<hbm>>) target(%arg11 : memref<128xi32, #tpu.memory_space<vmem>>) target_semaphore(%arg21 : memref<!tpu.dma_semaphore, #tpu.memory_space<semaphore_mem>>)
      } else {
      }
      %scan3A_84 = arith.constant 0 : i32
      %scan3A_85 = arith.constant 128 : i32
      %scan3A_86 = arith.addi %scan3A_84, %scan3A_85 : i32
      %scan3A_87 = arith.constant 1 : i32
      scf.for %scan3A_149 = %scan3A_84 to %scan3A_86 step %scan3A_87  : i32 {
        %mul3A_150 = arith.constant 1 : i32
        %mul3A_151 = arith.muli %scan3A_149, %mul3A_150 : i32
        %add3A_152 = arith.constant 0 : i32
        %add3A_153 = arith.addi %add3A_152, %mul3A_151 : i32
        %get3A = arith.index_cast %add3A_153 : i32 to index
        %get3A_154 = arith.constant 0 : index
        %get3A_155 = tpu.vector_load %arg15[%get3A, %get3A_154] {strides = array<i32>} : memref<128x128xf32, #tpu.memory_space<vmem>>, vector<1x16xf32>,
        %get3A_156 = vector.shape_cast %get3A_155 : vector<1x16xf32> to vector<1x16xf32>
        %get3A_157 = arith.index_cast %add3A_153 : i32 to index
        %get3A_158 = arith.constant 0 : index
        %get3A_159 = tpu.vector_load %arg16[%get3A_157, %get3A_158] {strides = array<i32>} : memref<128x128xf32, #tpu.memory_space<vmem>>, vector<1x16xf32>,
        %get3A_160 = vector.shape_cast %get3A_159 : vector<1x16xf32> to vector<1x16xf32>
        %add3A_161 = arith.addf %get3A_156, %get3A_160 : vector<1x16xf32>
        %get3A_162 = arith.index_cast %add3A_153 : i32 to index
        %get3A_163 = arith.constant 0 : index
        %get3A_164 = tpu.vector_load %arg17[%get3A_162, %get3A_163] {strides = array<i32>} : memref<128x128xf32, #tpu.memory_space<vmem>>, vector<1x16xf32>,
        %get3A_165 = vector.shape_cast %get3A_164 : vector<1x16xf32> to vector<1x16xf32>
        %add3A_166 = arith.addf %add3A_161, %get3A_165 : vector<1x16xf32>
        %swap3A = arith.index_cast %add3A_153 : i32 to index
        %swap3A_167 = arith.constant 0 : index
        %swap3A_168 = tpu.vector_load %arg15[%swap3A, %swap3A_167] {strides = array<i32>} : memref<128x128xf32, #tpu.memory_space<vmem>>, vector<1x16xf32>,
        %swap3A_169 = vector.shape_cast %swap3A_168 : vector<1x16xf32> to vector<1x16xf32>
        %swap3A_170 = vector.shape_cast %add3A_166 : vector<1x16xf32> to vector<1x16xf32>
        tpu.vector_store %arg15[%swap3A, %swap3A_167], %swap3A_170 {strides = array<i32>} : memref<128x128xf32, #tpu.memory_space<vmem>>, vector<1x16xf32>,
        %get3A_171 = arith.index_cast %add3A_153 : i32 to index
        %get3A_172 = arith.constant 16 : index
        %get3A_173 = tpu.vector_load %arg15[%get3A_171, %get3A_172] {strides = array<i32>} : memref<128x128xf32, #tpu.memory_space<vmem>>, vector<1x16xf32>,
        %get3A_174 = vector.shape_cast %get3A_173 : vector<1x16xf32> to vector<1x16xf32>
        %get3A_175 = arith.index_cast %add3A_153 : i32 to index
        %get3A_176 = arith.constant 16 : index
        %get3A_177 = tpu.vector_load %arg16[%get3A_175, %get3A_176] {strides = array<i32>} : memref<128x128xf32, #tpu.memory_space<vmem>>, vector<1x16xf32>,
        %get3A_178 = vector.shape_cast %get3A_177 : vector<1x16xf32> to vector<1x16xf32>
        %add3A_179 = arith.addf %get3A_174, %get3A_178 : vector<1x16xf32>
        %get3A_180 = arith.index_cast %add3A_153 : i32 to index
        %get3A_181 = arith.constant 16 : index
        %get3A_182 = tpu.vector_load %arg17[%get3A_180, %get3A_181] {strides = array<i32>} : memref<128x128xf32, #tpu.memory_space<vmem>>, vector<1x16xf32>,
        %get3A_183 = vector.shape_cast %get3A_182 : vector<1x16xf32> to vector<1x16xf32>
        %add3A_184 = arith.addf %add3A_179, %get3A_183 : vector<1x16xf32>
        %swap3A_185 = arith.index_cast %add3A_153 : i32 to index
        %swap3A_186 = arith.constant 16 : index
        %swap3A_187 = tpu.vector_load %arg15[%swap3A_185, %swap3A_186] {strides = array<i32>} : memref<128x128xf32, #tpu.memory_space<vmem>>, vector<1x16xf32>,
        %swap3A_188 = vector.shape_cast %swap3A_187 : vector<1x16xf32> to vector<1x16xf32>
        %swap3A_189 = vector.shape_cast %add3A_184 : vector<1x16xf32> to vector<1x16xf32>
        tpu.vector_store %arg15[%swap3A_185, %swap3A_186], %swap3A_189 {strides = array<i32>} : memref<128x128xf32, #tpu.memory_space<vmem>>, vector<1x16xf32>,
        %get3A_190 = arith.index_cast %add3A_153 : i32 to index
        %get3A_191 = arith.constant 32 : index
        %get3A_192 = tpu.vector_load %arg15[%get3A_190, %get3A_191] {strides = array<i32>} : memref<128x128xf32, #tpu.memory_space<vmem>>, vector<1x16xf32>,
        %get3A_193 = vector.shape_cast %get3A_192 : vector<1x16xf32> to vector<1x16xf32>
        %get3A_194 = arith.index_cast %add3A_153 : i32 to index
        %get3A_195 = arith.constant 32 : index
        %get3A_196 = tpu.vector_load %arg16[%get3A_194, %get3A_195] {strides = array<i32>} : memref<128x128xf32, #tpu.memory_space<vmem>>, vector<1x16xf32>,
        %get3A_197 = vector.shape_cast %get3A_196 : vector<1x16xf32> to vector<1x16xf32>
        %add3A_198 = arith.addf %get3A_193, %get3A_197 : vector<1x16xf32>
        %get3A_199 = arith.index_cast %add3A_153 : i32 to index
        %get3A_200 = arith.constant 32 : index
        %get3A_201 = tpu.vector_load %arg17[%get3A_199, %get3A_200] {strides = array<i32>} : memref<128x128xf32, #tpu.memory_space<vmem>>, vector<1x16xf32>,
        %get3A_202 = vector.shape_cast %get3A_201 : vector<1x16xf32> to vector<1x16xf32>
        %add3A_203 = arith.addf %add3A_198, %get3A_202 : vector<1x16xf32>
        %swap3A_204 = arith.index_cast %add3A_153 : i32 to index
        %swap3A_205 = arith.constant 32 : index
        %swap3A_206 = tpu.vector_load %arg15[%swap3A_204, %swap3A_205] {strides = array<i32>} : memref<128x128xf32, #tpu.memory_space<vmem>>, vector<1x16xf32>,
        %swap3A_207 = vector.shape_cast %swap3A_206 : vector<1x16xf32> to vector<1x16xf32>
        %swap3A_208 = vector.shape_cast %add3A_203 : vector<1x16xf32> to vector<1x16xf32>
        tpu.vector_store %arg15[%swap3A_204, %swap3A_205], %swap3A_208 {strides = array<i32>} : memref<128x128xf32, #tpu.memory_space<vmem>>, vector<1x16xf32>,
        %get3A_209 = arith.index_cast %add3A_153 : i32 to index
        %get3A_210 = arith.constant 48 : index
        %get3A_211 = tpu.vector_load %arg15[%get3A_209, %get3A_210] {strides = array<i32>} : memref<128x128xf32, #tpu.memory_space<vmem>>, vector<1x16xf32>,
        %get3A_212 = vector.shape_cast %get3A_211 : vector<1x16xf32> to vector<1x16xf32>
        %get3A_213 = arith.index_cast %add3A_153 : i32 to index
        %get3A_214 = arith.constant 48 : index
        %get3A_215 = tpu.vector_load %arg16[%get3A_213, %get3A_214] {strides = array<i32>} : memref<128x128xf32, #tpu.memory_space<vmem>>, vector<1x16xf32>,
        %get3A_216 = vector.shape_cast %get3A_215 : vector<1x16xf32> to vector<1x16xf32>
        %add3A_217 = arith.addf %get3A_212, %get3A_216 : vector<1x16xf32>
        %get3A_218 = arith.index_cast %add3A_153 : i32 to index
        %get3A_219 = arith.constant 48 : index
        %get3A_220 = tpu.vector_load %arg17[%get3A_218, %get3A_219] {strides = array<i32>} : memref<128x128xf32, #tpu.memory_space<vmem>>, vector<1x16xf32>,
        %get3A_221 = vector.shape_cast %get3A_220 : vector<1x16xf32> to vector<1x16xf32>
        %add3A_222 = arith.addf %add3A_217, %get3A_221 : vector<1x16xf32>
        %swap3A_223 = arith.index_cast %add3A_153 : i32 to index
        %swap3A_224 = arith.constant 48 : index
        %swap3A_225 = tpu.vector_load %arg15[%swap3A_223, %swap3A_224] {strides = array<i32>} : memref<128x128xf32, #tpu.memory_space<vmem>>, vector<1x16xf32>,
        %swap3A_226 = vector.shape_cast %swap3A_225 : vector<1x16xf32> to vector<1x16xf32>
        %swap3A_227 = vector.shape_cast %add3A_222 : vector<1x16xf32> to vector<1x16xf32>
        tpu.vector_store %arg15[%swap3A_223, %swap3A_224], %swap3A_227 {strides = array<i32>} : memref<128x128xf32, #tpu.memory_space<vmem>>, vector<1x16xf32>,
        %get3A_228 = arith.index_cast %add3A_153 : i32 to index
        %get3A_229 = arith.constant 64 : index
        %get3A_230 = tpu.vector_load %arg15[%get3A_228, %get3A_229] {strides = array<i32>} : memref<128x128xf32, #tpu.memory_space<vmem>>, vector<1x16xf32>,
        %get3A_231 = vector.shape_cast %get3A_230 : vector<1x16xf32> to vector<1x16xf32>
        %get3A_232 = arith.index_cast %add3A_153 : i32 to index
        %get3A_233 = arith.constant 64 : index
        %get3A_234 = tpu.vector_load %arg16[%get3A_232, %get3A_233] {strides = array<i32>} : memref<128x128xf32, #tpu.memory_space<vmem>>, vector<1x16xf32>,
        %get3A_235 = vector.shape_cast %get3A_234 : vector<1x16xf32> to vector<1x16xf32>
        %add3A_236 = arith.addf %get3A_231, %get3A_235 : vector<1x16xf32>
        %get3A_237 = arith.index_cast %add3A_153 : i32 to index
        %get3A_238 = arith.constant 64 : index
        %get3A_239 = tpu.vector_load %arg17[%get3A_237, %get3A_238] {strides = array<i32>} : memref<128x128xf32, #tpu.memory_space<vmem>>, vector<1x16xf32>,
        %get3A_240 = vector.shape_cast %get3A_239 : vector<1x16xf32> to vector<1x16xf32>
        %add3A_241 = arith.addf %add3A_236, %get3A_240 : vector<1x16xf32>
        %swap3A_242 = arith.index_cast %add3A_153 : i32 to index
        %swap3A_243 = arith.constant 64 : index
        %swap3A_244 = tpu.vector_load %arg15[%swap3A_242, %swap3A_243] {strides = array<i32>} : memref<128x128xf32, #tpu.memory_space<vmem>>, vector<1x16xf32>,
        %swap3A_245 = vector.shape_cast %swap3A_244 : vector<1x16xf32> to vector<1x16xf32>
        %swap3A_246 = vector.shape_cast %add3A_241 : vector<1x16xf32> to vector<1x16xf32>
        tpu.vector_store %arg15[%swap3A_242, %swap3A_243], %swap3A_246 {strides = array<i32>} : memref<128x128xf32, #tpu.memory_space<vmem>>, vector<1x16xf32>,
        %get3A_247 = arith.index_cast %add3A_153 : i32 to index
        %get3A_248 = arith.constant 80 : index
        %get3A_249 = tpu.vector_load %arg15[%get3A_247, %get3A_248] {strides = array<i32>} : memref<128x128xf32, #tpu.memory_space<vmem>>, vector<1x16xf32>,
        %get3A_250 = vector.shape_cast %get3A_249 : vector<1x16xf32> to vector<1x16xf32>
        %get3A_251 = arith.index_cast %add3A_153 : i32 to index
        %get3A_252 = arith.constant 80 : index
        %get3A_253 = tpu.vector_load %arg16[%get3A_251, %get3A_252] {strides = array<i32>} : memref<128x128xf32, #tpu.memory_space<vmem>>, vector<1x16xf32>,
        %get3A_254 = vector.shape_cast %get3A_253 : vector<1x16xf32> to vector<1x16xf32>
        %add3A_255 = arith.addf %get3A_250, %get3A_254 : vector<1x16xf32>
        %get3A_256 = arith.index_cast %add3A_153 : i32 to index
        %get3A_257 = arith.constant 80 : index
        %get3A_258 = tpu.vector_load %arg17[%get3A_256, %get3A_257] {strides = array<i32>} : memref<128x128xf32, #tpu.memory_space<vmem>>, vector<1x16xf32>,
        %get3A_259 = vector.shape_cast %get3A_258 : vector<1x16xf32> to vector<1x16xf32>
        %add3A_260 = arith.addf %add3A_255, %get3A_259 : vector<1x16xf32>
        %swap3A_261 = arith.index_cast %add3A_153 : i32 to index
        %swap3A_262 = arith.constant 80 : index
        %swap3A_263 = tpu.vector_load %arg15[%swap3A_261, %swap3A_262] {strides = array<i32>} : memref<128x128xf32, #tpu.memory_space<vmem>>, vector<1x16xf32>,
        %swap3A_264 = vector.shape_cast %swap3A_263 : vector<1x16xf32> to vector<1x16xf32>
        %swap3A_265 = vector.shape_cast %add3A_260 : vector<1x16xf32> to vector<1x16xf32>
        tpu.vector_store %arg15[%swap3A_261, %swap3A_262], %swap3A_265 {strides = array<i32>} : memref<128x128xf32, #tpu.memory_space<vmem>>, vector<1x16xf32>,
        %get3A_266 = arith.index_cast %add3A_153 : i32 to index
        %get3A_267 = arith.constant 96 : index
        %get3A_268 = tpu.vector_load %arg15[%get3A_266, %get3A_267] {strides = array<i32>} : memref<128x128xf32, #tpu.memory_space<vmem>>, vector<1x16xf32>,
        %get3A_269 = vector.shape_cast %get3A_268 : vector<1x16xf32> to vector<1x16xf32>
        %get3A_270 = arith.index_cast %add3A_153 : i32 to index
        %get3A_271 = arith.constant 96 : index
        %get3A_272 = tpu.vector_load %arg16[%get3A_270, %get3A_271] {strides = array<i32>} : memref<128x128xf32, #tpu.memory_space<vmem>>, vector<1x16xf32>,
        %get3A_273 = vector.shape_cast %get3A_272 : vector<1x16xf32> to vector<1x16xf32>
        %add3A_274 = arith.addf %get3A_269, %get3A_273 : vector<1x16xf32>
        %get3A_275 = arith.index_cast %add3A_153 : i32 to index
        %get3A_276 = arith.constant 96 : index
        %get3A_277 = tpu.vector_load %arg17[%get3A_275, %get3A_276] {strides = array<i32>} : memref<128x128xf32, #tpu.memory_space<vmem>>, vector<1x16xf32>,
        %get3A_278 = vector.shape_cast %get3A_277 : vector<1x16xf32> to vector<1x16xf32>
        %add3A_279 = arith.addf %add3A_274, %get3A_278 : vector<1x16xf32>
        %swap3A_280 = arith.index_cast %add3A_153 : i32 to index
        %swap3A_281 = arith.constant 96 : index
        %swap3A_282 = tpu.vector_load %arg15[%swap3A_280, %swap3A_281] {strides = array<i32>} : memref<128x128xf32, #tpu.memory_space<vmem>>, vector<1x16xf32>,
        %swap3A_283 = vector.shape_cast %swap3A_282 : vector<1x16xf32> to vector<1x16xf32>
        %swap3A_284 = vector.shape_cast %add3A_279 : vector<1x16xf32> to vector<1x16xf32>
        tpu.vector_store %arg15[%swap3A_280, %swap3A_281], %swap3A_284 {strides = array<i32>} : memref<128x128xf32, #tpu.memory_space<vmem>>, vector<1x16xf32>,
        %get3A_285 = arith.index_cast %add3A_153 : i32 to index
        %get3A_286 = arith.constant 112 : index
        %get3A_287 = tpu.vector_load %arg15[%get3A_285, %get3A_286] {strides = array<i32>} : memref<128x128xf32, #tpu.memory_space<vmem>>, vector<1x16xf32>,
        %get3A_288 = vector.shape_cast %get3A_287 : vector<1x16xf32> to vector<1x16xf32>
        %get3A_289 = arith.index_cast %add3A_153 : i32 to index
        %get3A_290 = arith.constant 112 : index
        %get3A_291 = tpu.vector_load %arg16[%get3A_289, %get3A_290] {strides = array<i32>} : memref<128x128xf32, #tpu.memory_space<vmem>>, vector<1x16xf32>,
        %get3A_292 = vector.shape_cast %get3A_291 : vector<1x16xf32> to vector<1x16xf32>
        %add3A_293 = arith.addf %get3A_288, %get3A_292 : vector<1x16xf32>
        %get3A_294 = arith.index_cast %add3A_153 : i32 to index
        %get3A_295 = arith.constant 112 : index
        %get3A_296 = tpu.vector_load %arg17[%get3A_294, %get3A_295] {strides = array<i32>} : memref<128x128xf32, #tpu.memory_space<vmem>>, vector<1x16xf32>,
        %get3A_297 = vector.shape_cast %get3A_296 : vector<1x16xf32> to vector<1x16xf32>
        %add3A_298 = arith.addf %add3A_293, %get3A_297 : vector<1x16xf32>
        %swap3A_299 = arith.index_cast %add3A_153 : i32 to index
        %swap3A_300 = arith.constant 112 : index
        %swap3A_301 = tpu.vector_load %arg15[%swap3A_299, %swap3A_300] {strides = array<i32>} : memref<128x128xf32, #tpu.memory_space<vmem>>, vector<1x16xf32>,
        %swap3A_302 = vector.shape_cast %swap3A_301 : vector<1x16xf32> to vector<1x16xf32>
        %swap3A_303 = vector.shape_cast %add3A_298 : vector<1x16xf32> to vector<1x16xf32>
        tpu.vector_store %arg15[%swap3A_299, %swap3A_300], %swap3A_303 {strides = array<i32>} : memref<128x128xf32, #tpu.memory_space<vmem>>, vector<1x16xf32>,
      }
      %scan3A_88 = arith.constant 128 : i32
      %mul3A_89 = arith.constant 128 : i32
      %mul3A_90 = arith.muli %add3A_50, %mul3A_89 : i32
      %add3A_91 = arith.addi %mul3A_2, %mul3A_90 : i32
      %dma_start3A_92 = arith.constant 0 : i32
      %dma_start3A_93 = tpu.memref_slice %arg8[%add3A_91, %dma_start3A_92] : memref<163840x128xf32, #tpu.memory_space<hbm>> -> memref<128x128xf32, #tpu.memory_space<hbm>>
      %dma_start3A_94 = arith.constant 0 : i32
      %dma_start3A_95 = tpu.memref_slice %arg8[%add3A_91, %dma_start3A_94] : memref<163840x128xf32, #tpu.memory_space<hbm>> -> memref<128x128xf32, #tpu.memory_space<hbm>>
      tpu.enqueue_dma source(%arg15 : memref<128x128xf32, #tpu.memory_space<vmem>>) target(%dma_start3A_95 : memref<128x128xf32, #tpu.memory_space<hbm>>) target_semaphore(%arg25 : memref<!tpu.dma_semaphore, #tpu.memory_space<semaphore_mem>>)
      %mul3A_96 = arith.constant 2 : i32
      %mul3A_97 = arith.muli %mul3A_96, %add3A_46 : i32
      %add3A_98 = arith.constant 1 : i32
      %add3A_99 = arith.addi %mul3A_97, %add3A_98 : i32
      %ge3A_100 = arith.constant 1 : i32
      %ge3A_101 = arith.cmpi sge, %add3A_99, %ge3A_100 : i32
      %convert_element_type3A_102 = arith.extui %ge3A_101 : i1 to i32
      %cond3A_103 = arith.constant 0 : i32
      %cond3A_104 = arith.cmpi ne, %convert_element_type3A_102, %cond3A_103 : i32
      scf.if %cond3A_104 {
        %dma_wait3A_149 = arith.constant 0 : i32
        %dma_wait3A_150 = arith.constant 0 : i32
        %dma_wait3A_151 = tpu.memref_slice %arg2[%dma_wait3A_149, %dma_wait3A_150] : memref<100000x128xf32, #tpu.memory_space<hbm>> -> memref<128x128xf32, #tpu.memory_space<hbm>>
        %dma_wait3A_152 = arith.constant 0 : i32
        %dma_wait3A_153 = arith.constant 0 : i32
        %dma_wait3A_154 = tpu.memref_slice %arg2[%dma_wait3A_152, %dma_wait3A_153] : memref<100000x128xf32, #tpu.memory_space<hbm>> -> memref<128x128xf32, #tpu.memory_space<hbm>>
        tpu.wait_dma2 semaphore(%arg25 : memref<!tpu.dma_semaphore, #tpu.memory_space<semaphore_mem>>) src(%dma_wait3A_154 : memref<128x128xf32, #tpu.memory_space<hbm>>) dst(%arg15 : memref<128x128xf32, #tpu.memory_space<vmem>>)
      } else {
      }
      %add3A_105 = arith.constant 1 : i32
      %add3A_106 = arith.addi %add3A_99, %add3A_105 : i32
      %lt3A_107 = arith.constant 40 : i32
      %lt3A_108 = arith.cmpi slt, %add3A_106, %lt3A_107 : i32
      %convert_element_type3A_109 = arith.extui %lt3A_108 : i1 to i32
      %cond3A_110 = arith.constant 0 : i32
      %cond3A_111 = arith.cmpi ne, %convert_element_type3A_109, %cond3A_110 : i32
      scf.if %cond3A_111 {
        %dma_wait3A_149 = tpu.memref_slice %arg5[%mul3A_2] : memref<163840xi32, #tpu.memory_space<hbm>> -> memref<128xi32, #tpu.memory_space<hbm>>
        %dma_wait3A_150 = tpu.memref_slice %arg5[%mul3A_2] : memref<163840xi32, #tpu.memory_space<hbm>> -> memref<128xi32, #tpu.memory_space<hbm>>
        tpu.wait_dma2 semaphore(%arg21 : memref<!tpu.dma_semaphore, #tpu.memory_space<semaphore_mem>>) src(%dma_wait3A_150 : memref<128xi32, #tpu.memory_space<hbm>>) dst(%arg9 : memref<128xi32, #tpu.memory_space<vmem>>)
        %dma_wait3A_151 = tpu.memref_slice %arg6[%mul3A_2] : memref<163840xi32, #tpu.memory_space<hbm>> -> memref<128xi32, #tpu.memory_space<hbm>>
        %dma_wait3A_152 = tpu.memref_slice %arg6[%mul3A_2] : memref<163840xi32, #tpu.memory_space<hbm>> -> memref<128xi32, #tpu.memory_space<hbm>>
        tpu.wait_dma2 semaphore(%arg21 : memref<!tpu.dma_semaphore, #tpu.memory_space<semaphore_mem>>) src(%dma_wait3A_152 : memref<128xi32, #tpu.memory_space<hbm>>) dst(%arg10 : memref<128xi32, #tpu.memory_space<vmem>>)
        %dma_wait3A_153 = tpu.memref_slice %arg7[%mul3A_2] : memref<163840xi32, #tpu.memory_space<hbm>> -> memref<128xi32, #tpu.memory_space<hbm>>
        %dma_wait3A_154 = tpu.memref_slice %arg7[%mul3A_2] : memref<163840xi32, #tpu.memory_space<hbm>> -> memref<128xi32, #tpu.memory_space<hbm>>
        tpu.wait_dma2 semaphore(%arg21 : memref<!tpu.dma_semaphore, #tpu.memory_space<semaphore_mem>>) src(%dma_wait3A_154 : memref<128xi32, #tpu.memory_space<hbm>>) dst(%arg11 : memref<128xi32, #tpu.memory_space<vmem>>)
        %dma_start3A_155 = arith.constant 0 : i32
        %dma_start3A_156 = arith.constant 0 : i32
        %dma_start3A_157 = tpu.memref_slice %arg2[%dma_start3A_155, %dma_start3A_156] : memref<100000x128xf32, #tpu.memory_space<hbm>> -> memref<100000x128xf32, #tpu.memory_space<hbm>>
        tpu.enqueue_indirect_dma source(%dma_start3A_157 : memref<100000x128xf32, #tpu.memory_space<hbm>>) target(%arg15 : memref<128x128xf32, #tpu.memory_space<vmem>>) offsets(%arg9 : memref<128xi32, #tpu.memory_space<vmem>>) semaphore(%arg23 : memref<!tpu.dma_semaphore, #tpu.memory_space<semaphore_mem>>)
        %dma_start3A_158 = arith.constant 0 : i32
        %dma_start3A_159 = arith.constant 0 : i32
        %dma_start3A_160 = tpu.memref_slice %arg3[%dma_start3A_158, %dma_start3A_159] : memref<100000x128xf32, #tpu.memory_space<hbm>> -> memref<100000x128xf32, #tpu.memory_space<hbm>>
        tpu.enqueue_indirect_dma source(%dma_start3A_160 : memref<100000x128xf32, #tpu.memory_space<hbm>>) target(%arg16 : memref<128x128xf32, #tpu.memory_space<vmem>>) offsets(%arg10 : memref<128xi32, #tpu.memory_space<vmem>>) semaphore(%arg23 : memref<!tpu.dma_semaphore, #tpu.memory_space<semaphore_mem>>)
        %dma_start3A_161 = arith.constant 0 : i32
        %dma_start3A_162 = arith.constant 0 : i32
        %dma_start3A_163 = tpu.memref_slice %arg4[%dma_start3A_161, %dma_start3A_162] : memref<100000x128xf32, #tpu.memory_space<hbm>> -> memref<100000x128xf32, #tpu.memory_space<hbm>>
        tpu.enqueue_indirect_dma source(%dma_start3A_163 : memref<100000x128xf32, #tpu.memory_space<hbm>>) target(%arg17 : memref<128x128xf32, #tpu.memory_space<vmem>>) offsets(%arg11 : memref<128xi32, #tpu.memory_space<vmem>>) semaphore(%arg23 : memref<!tpu.dma_semaphore, #tpu.memory_space<semaphore_mem>>)
      } else {
      }
      %dma_wait3A_112 = arith.constant 0 : i32
      %dma_wait3A_113 = arith.constant 0 : i32
      %dma_wait3A_114 = tpu.memref_slice %arg2[%dma_wait3A_112, %dma_wait3A_113] : memref<100000x128xf32, #tpu.memory_space<hbm>> -> memref<128x128xf32, #tpu.memory_space<hbm>>
      %dma_wait3A_115 = arith.constant 0 : i32
      %dma_wait3A_116 = arith.constant 0 : i32
      %dma_wait3A_117 = tpu.memref_slice %arg2[%dma_wait3A_115, %dma_wait3A_116] : memref<100000x128xf32, #tpu.memory_space<hbm>> -> memref<128x128xf32, #tpu.memory_space<hbm>>
      tpu.wait_dma2 semaphore(%arg24 : memref<!tpu.dma_semaphore, #tpu.memory_space<semaphore_mem>>) src(%dma_wait3A_117 : memref<128x128xf32, #tpu.memory_space<hbm>>) dst(%arg18 : memref<128x128xf32, #tpu.memory_space<vmem>>)
      %dma_wait3A_118 = arith.constant 0 : i32
      %dma_wait3A_119 = arith.constant 0 : i32
      %dma_wait3A_120 = tpu.memref_slice %arg3[%dma_wait3A_118, %dma_wait3A_119] : memref<100000x128xf32, #tpu.memory_space<hbm>> -> memref<128x128xf32, #tpu.memory_space<hbm>>
      %dma_wait3A_121 = arith.constant 0 : i32
      %dma_wait3A_122 = arith.constant 0 : i32
      %dma_wait3A_123 = tpu.memref_slice %arg3[%dma_wait3A_121, %dma_wait3A_122] : memref<100000x128xf32, #tpu.memory_space<hbm>> -> memref<128x128xf32, #tpu.memory_space<hbm>>
      tpu.wait_dma2 semaphore(%arg24 : memref<!tpu.dma_semaphore, #tpu.memory_space<semaphore_mem>>) src(%dma_wait3A_123 : memref<128x128xf32, #tpu.memory_space<hbm>>) dst(%arg19 : memref<128x128xf32, #tpu.memory_space<vmem>>)
      %dma_wait3A_124 = arith.constant 0 : i32
      %dma_wait3A_125 = arith.constant 0 : i32
      %dma_wait3A_126 = tpu.memref_slice %arg4[%dma_wait3A_124, %dma_wait3A_125] : memref<100000x128xf32, #tpu.memory_space<hbm>> -> memref<128x128xf32, #tpu.memory_space<hbm>>
      %dma_wait3A_127 = arith.constant 0 : i32
      %dma_wait3A_128 = arith.constant 0 : i32
      %dma_wait3A_129 = tpu.memref_slice %arg4[%dma_wait3A_127, %dma_wait3A_128] : memref<100000x128xf32, #tpu.memory_space<hbm>> -> memref<128x128xf32, #tpu.memory_space<hbm>>
      tpu.wait_dma2 semaphore(%arg24 : memref<!tpu.dma_semaphore, #tpu.memory_space<semaphore_mem>>) src(%dma_wait3A_129 : memref<128x128xf32, #tpu.memory_space<hbm>>) dst(%arg20 : memref<128x128xf32, #tpu.memory_space<vmem>>)
      %add3A_130 = arith.constant 2 : i32
      %add3A_131 = arith.addi %add3A_99, %add3A_130 : i32
      %lt3A_132 = arith.constant 40 : i32
      %lt3A_133 = arith.cmpi slt, %add3A_131, %lt3A_132 : i32
      %convert_element_type3A_134 = arith.extui %lt3A_133 : i1 to i32
      %cond3A_135 = arith.constant 0 : i32
      %cond3A_136 = arith.cmpi ne, %convert_element_type3A_134, %cond3A_135 : i32
      scf.if %cond3A_136 {
        %add3A_149 = arith.constant 2 : i32
        %add3A_150 = arith.addi %add3A_99, %add3A_149 : i32
        %mul3A_151 = arith.constant 128 : i32
        %mul3A_152 = arith.muli %add3A_150, %mul3A_151 : i32
        %add3A_153 = arith.addi %mul3A_2, %mul3A_152 : i32
        %dma_start3A_154 = tpu.memref_slice %arg5[%add3A_153] : memref<163840xi32, #tpu.memory_space<hbm>> -> memref<128xi32, #tpu.memory_space<hbm>>
        %dma_start3A_155 = tpu.memref_slice %arg5[%add3A_153] : memref<163840xi32, #tpu.memory_space<hbm>> -> memref<128xi32, #tpu.memory_space<hbm>>
        tpu.enqueue_dma source(%dma_start3A_155 : memref<128xi32, #tpu.memory_space<hbm>>) target(%arg12 : memref<128xi32, #tpu.memory_space<vmem>>) target_semaphore(%arg22 : memref<!tpu.dma_semaphore, #tpu.memory_space<semaphore_mem>>)
        %dma_start3A_156 = tpu.memref_slice %arg6[%add3A_153] : memref<163840xi32, #tpu.memory_space<hbm>> -> memref<128xi32, #tpu.memory_space<hbm>>
        %dma_start3A_157 = tpu.memref_slice %arg6[%add3A_153] : memref<163840xi32, #tpu.memory_space<hbm>> -> memref<128xi32, #tpu.memory_space<hbm>>
        tpu.enqueue_dma source(%dma_start3A_157 : memref<128xi32, #tpu.memory_space<hbm>>) target(%arg13 : memref<128xi32, #tpu.memory_space<vmem>>) target_semaphore(%arg22 : memref<!tpu.dma_semaphore, #tpu.memory_space<semaphore_mem>>)
        %dma_start3A_158 = tpu.memref_slice %arg7[%add3A_153] : memref<163840xi32, #tpu.memory_space<hbm>> -> memref<128xi32, #tpu.memory_space<hbm>>
        %dma_start3A_159 = tpu.memref_slice %arg7[%add3A_153] : memref<163840xi32, #tpu.memory_space<hbm>> -> memref<128xi32, #tpu.memory_space<hbm>>
        tpu.enqueue_dma source(%dma_start3A_159 : memref<128xi32, #tpu.memory_space<hbm>>) target(%arg14 : memref<128xi32, #tpu.memory_space<vmem>>) target_semaphore(%arg22 : memref<!tpu.dma_semaphore, #tpu.memory_space<semaphore_mem>>)
      } else {
      }
      %scan3A_137 = arith.constant 0 : i32
      %scan3A_138 = arith.constant 128 : i32
      %scan3A_139 = arith.addi %scan3A_137, %scan3A_138 : i32
      %scan3A_140 = arith.constant 1 : i32
      scf.for %scan3A_149 = %scan3A_137 to %scan3A_139 step %scan3A_140  : i32 {
        %mul3A_150 = arith.constant 1 : i32
        %mul3A_151 = arith.muli %scan3A_149, %mul3A_150 : i32
        %add3A_152 = arith.constant 0 : i32
        %add3A_153 = arith.addi %add3A_152, %mul3A_151 : i32
        %get3A = arith.index_cast %add3A_153 : i32 to index
        %get3A_154 = arith.constant 0 : index
        %get3A_155 = tpu.vector_load %arg18[%get3A, %get3A_154] {strides = array<i32>} : memref<128x128xf32, #tpu.memory_space<vmem>>, vector<1x16xf32>,
        %get3A_156 = vector.shape_cast %get3A_155 : vector<1x16xf32> to vector<1x16xf32>
        %get3A_157 = arith.index_cast %add3A_153 : i32 to index
        %get3A_158 = arith.constant 0 : index
        %get3A_159 = tpu.vector_load %arg19[%get3A_157, %get3A_158] {strides = array<i32>} : memref<128x128xf32, #tpu.memory_space<vmem>>, vector<1x16xf32>,
        %get3A_160 = vector.shape_cast %get3A_159 : vector<1x16xf32> to vector<1x16xf32>
        %add3A_161 = arith.addf %get3A_156, %get3A_160 : vector<1x16xf32>
        %get3A_162 = arith.index_cast %add3A_153 : i32 to index
        %get3A_163 = arith.constant 0 : index
        %get3A_164 = tpu.vector_load %arg20[%get3A_162, %get3A_163] {strides = array<i32>} : memref<128x128xf32, #tpu.memory_space<vmem>>, vector<1x16xf32>,
        %get3A_165 = vector.shape_cast %get3A_164 : vector<1x16xf32> to vector<1x16xf32>
        %add3A_166 = arith.addf %add3A_161, %get3A_165 : vector<1x16xf32>
        %swap3A = arith.index_cast %add3A_153 : i32 to index
        %swap3A_167 = arith.constant 0 : index
        %swap3A_168 = tpu.vector_load %arg18[%swap3A, %swap3A_167] {strides = array<i32>} : memref<128x128xf32, #tpu.memory_space<vmem>>, vector<1x16xf32>,
        %swap3A_169 = vector.shape_cast %swap3A_168 : vector<1x16xf32> to vector<1x16xf32>
        %swap3A_170 = vector.shape_cast %add3A_166 : vector<1x16xf32> to vector<1x16xf32>
        tpu.vector_store %arg18[%swap3A, %swap3A_167], %swap3A_170 {strides = array<i32>} : memref<128x128xf32, #tpu.memory_space<vmem>>, vector<1x16xf32>,
        %get3A_171 = arith.index_cast %add3A_153 : i32 to index
        %get3A_172 = arith.constant 16 : index
        %get3A_173 = tpu.vector_load %arg18[%get3A_171, %get3A_172] {strides = array<i32>} : memref<128x128xf32, #tpu.memory_space<vmem>>, vector<1x16xf32>,
        %get3A_174 = vector.shape_cast %get3A_173 : vector<1x16xf32> to vector<1x16xf32>
        %get3A_175 = arith.index_cast %add3A_153 : i32 to index
        %get3A_176 = arith.constant 16 : index
        %get3A_177 = tpu.vector_load %arg19[%get3A_175, %get3A_176] {strides = array<i32>} : memref<128x128xf32, #tpu.memory_space<vmem>>, vector<1x16xf32>,
        %get3A_178 = vector.shape_cast %get3A_177 : vector<1x16xf32> to vector<1x16xf32>
        %add3A_179 = arith.addf %get3A_174, %get3A_178 : vector<1x16xf32>
        %get3A_180 = arith.index_cast %add3A_153 : i32 to index
        %get3A_181 = arith.constant 16 : index
        %get3A_182 = tpu.vector_load %arg20[%get3A_180, %get3A_181] {strides = array<i32>} : memref<128x128xf32, #tpu.memory_space<vmem>>, vector<1x16xf32>,
        %get3A_183 = vector.shape_cast %get3A_182 : vector<1x16xf32> to vector<1x16xf32>
        %add3A_184 = arith.addf %add3A_179, %get3A_183 : vector<1x16xf32>
        %swap3A_185 = arith.index_cast %add3A_153 : i32 to index
        %swap3A_186 = arith.constant 16 : index
        %swap3A_187 = tpu.vector_load %arg18[%swap3A_185, %swap3A_186] {strides = array<i32>} : memref<128x128xf32, #tpu.memory_space<vmem>>, vector<1x16xf32>,
        %swap3A_188 = vector.shape_cast %swap3A_187 : vector<1x16xf32> to vector<1x16xf32>
        %swap3A_189 = vector.shape_cast %add3A_184 : vector<1x16xf32> to vector<1x16xf32>
        tpu.vector_store %arg18[%swap3A_185, %swap3A_186], %swap3A_189 {strides = array<i32>} : memref<128x128xf32, #tpu.memory_space<vmem>>, vector<1x16xf32>,
        %get3A_190 = arith.index_cast %add3A_153 : i32 to index
        %get3A_191 = arith.constant 32 : index
        %get3A_192 = tpu.vector_load %arg18[%get3A_190, %get3A_191] {strides = array<i32>} : memref<128x128xf32, #tpu.memory_space<vmem>>, vector<1x16xf32>,
        %get3A_193 = vector.shape_cast %get3A_192 : vector<1x16xf32> to vector<1x16xf32>
        %get3A_194 = arith.index_cast %add3A_153 : i32 to index
        %get3A_195 = arith.constant 32 : index
        %get3A_196 = tpu.vector_load %arg19[%get3A_194, %get3A_195] {strides = array<i32>} : memref<128x128xf32, #tpu.memory_space<vmem>>, vector<1x16xf32>,
        %get3A_197 = vector.shape_cast %get3A_196 : vector<1x16xf32> to vector<1x16xf32>
        %add3A_198 = arith.addf %get3A_193, %get3A_197 : vector<1x16xf32>
        %get3A_199 = arith.index_cast %add3A_153 : i32 to index
        %get3A_200 = arith.constant 32 : index
        %get3A_201 = tpu.vector_load %arg20[%get3A_199, %get3A_200] {strides = array<i32>} : memref<128x128xf32, #tpu.memory_space<vmem>>, vector<1x16xf32>,
        %get3A_202 = vector.shape_cast %get3A_201 : vector<1x16xf32> to vector<1x16xf32>
        %add3A_203 = arith.addf %add3A_198, %get3A_202 : vector<1x16xf32>
        %swap3A_204 = arith.index_cast %add3A_153 : i32 to index
        %swap3A_205 = arith.constant 32 : index
        %swap3A_206 = tpu.vector_load %arg18[%swap3A_204, %swap3A_205] {strides = array<i32>} : memref<128x128xf32, #tpu.memory_space<vmem>>, vector<1x16xf32>,
        %swap3A_207 = vector.shape_cast %swap3A_206 : vector<1x16xf32> to vector<1x16xf32>
        %swap3A_208 = vector.shape_cast %add3A_203 : vector<1x16xf32> to vector<1x16xf32>
        tpu.vector_store %arg18[%swap3A_204, %swap3A_205], %swap3A_208 {strides = array<i32>} : memref<128x128xf32, #tpu.memory_space<vmem>>, vector<1x16xf32>,
        %get3A_209 = arith.index_cast %add3A_153 : i32 to index
        %get3A_210 = arith.constant 48 : index
        %get3A_211 = tpu.vector_load %arg18[%get3A_209, %get3A_210] {strides = array<i32>} : memref<128x128xf32, #tpu.memory_space<vmem>>, vector<1x16xf32>,
        %get3A_212 = vector.shape_cast %get3A_211 : vector<1x16xf32> to vector<1x16xf32>
        %get3A_213 = arith.index_cast %add3A_153 : i32 to index
        %get3A_214 = arith.constant 48 : index
        %get3A_215 = tpu.vector_load %arg19[%get3A_213, %get3A_214] {strides = array<i32>} : memref<128x128xf32, #tpu.memory_space<vmem>>, vector<1x16xf32>,
        %get3A_216 = vector.shape_cast %get3A_215 : vector<1x16xf32> to vector<1x16xf32>
        %add3A_217 = arith.addf %get3A_212, %get3A_216 : vector<1x16xf32>
        %get3A_218 = arith.index_cast %add3A_153 : i32 to index
        %get3A_219 = arith.constant 48 : index
        %get3A_220 = tpu.vector_load %arg20[%get3A_218, %get3A_219] {strides = array<i32>} : memref<128x128xf32, #tpu.memory_space<vmem>>, vector<1x16xf32>,
        %get3A_221 = vector.shape_cast %get3A_220 : vector<1x16xf32> to vector<1x16xf32>
        %add3A_222 = arith.addf %add3A_217, %get3A_221 : vector<1x16xf32>
        %swap3A_223 = arith.index_cast %add3A_153 : i32 to index
        %swap3A_224 = arith.constant 48 : index
        %swap3A_225 = tpu.vector_load %arg18[%swap3A_223, %swap3A_224] {strides = array<i32>} : memref<128x128xf32, #tpu.memory_space<vmem>>, vector<1x16xf32>,
        %swap3A_226 = vector.shape_cast %swap3A_225 : vector<1x16xf32> to vector<1x16xf32>
        %swap3A_227 = vector.shape_cast %add3A_222 : vector<1x16xf32> to vector<1x16xf32>
        tpu.vector_store %arg18[%swap3A_223, %swap3A_224], %swap3A_227 {strides = array<i32>} : memref<128x128xf32, #tpu.memory_space<vmem>>, vector<1x16xf32>,
        %get3A_228 = arith.index_cast %add3A_153 : i32 to index
        %get3A_229 = arith.constant 64 : index
        %get3A_230 = tpu.vector_load %arg18[%get3A_228, %get3A_229] {strides = array<i32>} : memref<128x128xf32, #tpu.memory_space<vmem>>, vector<1x16xf32>,
        %get3A_231 = vector.shape_cast %get3A_230 : vector<1x16xf32> to vector<1x16xf32>
        %get3A_232 = arith.index_cast %add3A_153 : i32 to index
        %get3A_233 = arith.constant 64 : index
        %get3A_234 = tpu.vector_load %arg19[%get3A_232, %get3A_233] {strides = array<i32>} : memref<128x128xf32, #tpu.memory_space<vmem>>, vector<1x16xf32>,
        %get3A_235 = vector.shape_cast %get3A_234 : vector<1x16xf32> to vector<1x16xf32>
        %add3A_236 = arith.addf %get3A_231, %get3A_235 : vector<1x16xf32>
        %get3A_237 = arith.index_cast %add3A_153 : i32 to index
        %get3A_238 = arith.constant 64 : index
        %get3A_239 = tpu.vector_load %arg20[%get3A_237, %get3A_238] {strides = array<i32>} : memref<128x128xf32, #tpu.memory_space<vmem>>, vector<1x16xf32>,
        %get3A_240 = vector.shape_cast %get3A_239 : vector<1x16xf32> to vector<1x16xf32>
        %add3A_241 = arith.addf %add3A_236, %get3A_240 : vector<1x16xf32>
        %swap3A_242 = arith.index_cast %add3A_153 : i32 to index
        %swap3A_243 = arith.constant 64 : index
        %swap3A_244 = tpu.vector_load %arg18[%swap3A_242, %swap3A_243] {strides = array<i32>} : memref<128x128xf32, #tpu.memory_space<vmem>>, vector<1x16xf32>,
        %swap3A_245 = vector.shape_cast %swap3A_244 : vector<1x16xf32> to vector<1x16xf32>
        %swap3A_246 = vector.shape_cast %add3A_241 : vector<1x16xf32> to vector<1x16xf32>
        tpu.vector_store %arg18[%swap3A_242, %swap3A_243], %swap3A_246 {strides = array<i32>} : memref<128x128xf32, #tpu.memory_space<vmem>>, vector<1x16xf32>,
        %get3A_247 = arith.index_cast %add3A_153 : i32 to index
        %get3A_248 = arith.constant 80 : index
        %get3A_249 = tpu.vector_load %arg18[%get3A_247, %get3A_248] {strides = array<i32>} : memref<128x128xf32, #tpu.memory_space<vmem>>, vector<1x16xf32>,
        %get3A_250 = vector.shape_cast %get3A_249 : vector<1x16xf32> to vector<1x16xf32>
        %get3A_251 = arith.index_cast %add3A_153 : i32 to index
        %get3A_252 = arith.constant 80 : index
        %get3A_253 = tpu.vector_load %arg19[%get3A_251, %get3A_252] {strides = array<i32>} : memref<128x128xf32, #tpu.memory_space<vmem>>, vector<1x16xf32>,
        %get3A_254 = vector.shape_cast %get3A_253 : vector<1x16xf32> to vector<1x16xf32>
        %add3A_255 = arith.addf %get3A_250, %get3A_254 : vector<1x16xf32>
        %get3A_256 = arith.index_cast %add3A_153 : i32 to index
        %get3A_257 = arith.constant 80 : index
        %get3A_258 = tpu.vector_load %arg20[%get3A_256, %get3A_257] {strides = array<i32>} : memref<128x128xf32, #tpu.memory_space<vmem>>, vector<1x16xf32>,
        %get3A_259 = vector.shape_cast %get3A_258 : vector<1x16xf32> to vector<1x16xf32>
        %add3A_260 = arith.addf %add3A_255, %get3A_259 : vector<1x16xf32>
        %swap3A_261 = arith.index_cast %add3A_153 : i32 to index
        %swap3A_262 = arith.constant 80 : index
        %swap3A_263 = tpu.vector_load %arg18[%swap3A_261, %swap3A_262] {strides = array<i32>} : memref<128x128xf32, #tpu.memory_space<vmem>>, vector<1x16xf32>,
        %swap3A_264 = vector.shape_cast %swap3A_263 : vector<1x16xf32> to vector<1x16xf32>
        %swap3A_265 = vector.shape_cast %add3A_260 : vector<1x16xf32> to vector<1x16xf32>
        tpu.vector_store %arg18[%swap3A_261, %swap3A_262], %swap3A_265 {strides = array<i32>} : memref<128x128xf32, #tpu.memory_space<vmem>>, vector<1x16xf32>,
        %get3A_266 = arith.index_cast %add3A_153 : i32 to index
        %get3A_267 = arith.constant 96 : index
        %get3A_268 = tpu.vector_load %arg18[%get3A_266, %get3A_267] {strides = array<i32>} : memref<128x128xf32, #tpu.memory_space<vmem>>, vector<1x16xf32>,
        %get3A_269 = vector.shape_cast %get3A_268 : vector<1x16xf32> to vector<1x16xf32>
        %get3A_270 = arith.index_cast %add3A_153 : i32 to index
        %get3A_271 = arith.constant 96 : index
        %get3A_272 = tpu.vector_load %arg19[%get3A_270, %get3A_271] {strides = array<i32>} : memref<128x128xf32, #tpu.memory_space<vmem>>, vector<1x16xf32>,
        %get3A_273 = vector.shape_cast %get3A_272 : vector<1x16xf32> to vector<1x16xf32>
        %add3A_274 = arith.addf %get3A_269, %get3A_273 : vector<1x16xf32>
        %get3A_275 = arith.index_cast %add3A_153 : i32 to index
        %get3A_276 = arith.constant 96 : index
        %get3A_277 = tpu.vector_load %arg20[%get3A_275, %get3A_276] {strides = array<i32>} : memref<128x128xf32, #tpu.memory_space<vmem>>, vector<1x16xf32>,
        %get3A_278 = vector.shape_cast %get3A_277 : vector<1x16xf32> to vector<1x16xf32>
        %add3A_279 = arith.addf %add3A_274, %get3A_278 : vector<1x16xf32>
        %swap3A_280 = arith.index_cast %add3A_153 : i32 to index
        %swap3A_281 = arith.constant 96 : index
        %swap3A_282 = tpu.vector_load %arg18[%swap3A_280, %swap3A_281] {strides = array<i32>} : memref<128x128xf32, #tpu.memory_space<vmem>>, vector<1x16xf32>,
        %swap3A_283 = vector.shape_cast %swap3A_282 : vector<1x16xf32> to vector<1x16xf32>
        %swap3A_284 = vector.shape_cast %add3A_279 : vector<1x16xf32> to vector<1x16xf32>
        tpu.vector_store %arg18[%swap3A_280, %swap3A_281], %swap3A_284 {strides = array<i32>} : memref<128x128xf32, #tpu.memory_space<vmem>>, vector<1x16xf32>,
        %get3A_285 = arith.index_cast %add3A_153 : i32 to index
        %get3A_286 = arith.constant 112 : index
        %get3A_287 = tpu.vector_load %arg18[%get3A_285, %get3A_286] {strides = array<i32>} : memref<128x128xf32, #tpu.memory_space<vmem>>, vector<1x16xf32>,
        %get3A_288 = vector.shape_cast %get3A_287 : vector<1x16xf32> to vector<1x16xf32>
        %get3A_289 = arith.index_cast %add3A_153 : i32 to index
        %get3A_290 = arith.constant 112 : index
        %get3A_291 = tpu.vector_load %arg19[%get3A_289, %get3A_290] {strides = array<i32>} : memref<128x128xf32, #tpu.memory_space<vmem>>, vector<1x16xf32>,
        %get3A_292 = vector.shape_cast %get3A_291 : vector<1x16xf32> to vector<1x16xf32>
        %add3A_293 = arith.addf %get3A_288, %get3A_292 : vector<1x16xf32>
        %get3A_294 = arith.index_cast %add3A_153 : i32 to index
        %get3A_295 = arith.constant 112 : index
        %get3A_296 = tpu.vector_load %arg20[%get3A_294, %get3A_295] {strides = array<i32>} : memref<128x128xf32, #tpu.memory_space<vmem>>, vector<1x16xf32>,
        %get3A_297 = vector.shape_cast %get3A_296 : vector<1x16xf32> to vector<1x16xf32>
        %add3A_298 = arith.addf %add3A_293, %get3A_297 : vector<1x16xf32>
        %swap3A_299 = arith.index_cast %add3A_153 : i32 to index
        %swap3A_300 = arith.constant 112 : index
        %swap3A_301 = tpu.vector_load %arg18[%swap3A_299, %swap3A_300] {strides = array<i32>} : memref<128x128xf32, #tpu.memory_space<vmem>>, vector<1x16xf32>,
        %swap3A_302 = vector.shape_cast %swap3A_301 : vector<1x16xf32> to vector<1x16xf32>
        %swap3A_303 = vector.shape_cast %add3A_298 : vector<1x16xf32> to vector<1x16xf32>
        tpu.vector_store %arg18[%swap3A_299, %swap3A_300], %swap3A_303 {strides = array<i32>} : memref<128x128xf32, #tpu.memory_space<vmem>>, vector<1x16xf32>,
      }
      %scan3A_141 = arith.constant 128 : i32
      %mul3A_142 = arith.constant 128 : i32
      %mul3A_143 = arith.muli %add3A_99, %mul3A_142 : i32
      %add3A_144 = arith.addi %mul3A_2, %mul3A_143 : i32
      %dma_start3A_145 = arith.constant 0 : i32
      %dma_start3A_146 = tpu.memref_slice %arg8[%add3A_144, %dma_start3A_145] : memref<163840x128xf32, #tpu.memory_space<hbm>> -> memref<128x128xf32, #tpu.memory_space<hbm>>
      %dma_start3A_147 = arith.constant 0 : i32
      %dma_start3A_148 = tpu.memref_slice %arg8[%add3A_144, %dma_start3A_147] : memref<163840x128xf32, #tpu.memory_space<hbm>> -> memref<128x128xf32, #tpu.memory_space<hbm>>
      tpu.enqueue_dma source(%arg18 : memref<128x128xf32, #tpu.memory_space<vmem>>) target(%dma_start3A_148 : memref<128x128xf32, #tpu.memory_space<hbm>>) target_semaphore(%arg26 : memref<!tpu.dma_semaphore, #tpu.memory_space<semaphore_mem>>)
    }
    %scan3A_35 = arith.constant 20 : i32
    %dma_wait3A_36 = arith.constant 0 : i32
    %dma_wait3A_37 = arith.constant 0 : i32
    %dma_wait3A_38 = tpu.memref_slice %arg2[%dma_wait3A_36, %dma_wait3A_37] : memref<100000x128xf32, #tpu.memory_space<hbm>> -> memref<128x128xf32, #tpu.memory_space<hbm>>
    %dma_wait3A_39 = arith.constant 0 : i32
    %dma_wait3A_40 = arith.constant 0 : i32
    %dma_wait3A_41 = tpu.memref_slice %arg2[%dma_wait3A_39, %dma_wait3A_40] : memref<100000x128xf32, #tpu.memory_space<hbm>> -> memref<128x128xf32, #tpu.memory_space<hbm>>
    tpu.wait_dma2 semaphore(%arg26 : memref<!tpu.dma_semaphore, #tpu.memory_space<semaphore_mem>>) src(%dma_wait3A_41 : memref<128x128xf32, #tpu.memory_space<hbm>>) dst(%arg18 : memref<128x128xf32, #tpu.memory_space<vmem>>)
    return
  }
}

module attributes {stable_mosaic.version = 14 : i64} {
  func.func @_tc_body_alias(%arg0: i32, %arg1: memref<10x512x128xf32, #tpu.memory_space<vmem>>, %arg2: memref<10x512x128xf32, #tpu.memory_space<vmem>>, %arg3: memref<128x128xf32, #tpu.memory_space<vmem>>, %arg4: memref<1x128xf32, #tpu.memory_space<vmem>>, %arg5: memref<1x128xf32, #tpu.memory_space<vmem>>, %arg6: memref<1x128xf32, #tpu.memory_space<vmem>>, %arg7: memref<10x8x128xf32, #tpu.memory_space<vmem>>, %arg8: memref<10x512x128xf32, #tpu.memory_space<vmem>>) attributes {dimension_semantics = [#tpu.dimension_semantics<parallel>], iteration_bounds = array<i64: 32>, scalar_prefetch = 0 : i64, scratch_operands = 0 : i64, tpu.core_type = #tpu.core_type<tc>, window_params = [{transform_indices = @transform_0, window_bounds = array<i64: 10, 512, 128>}, {transform_indices = @transform_1, window_bounds = array<i64: 10, 512, 128>}, {pipeline_mode = #tpu.pipeline_mode<synchronous>, transform_indices = @transform_2, window_bounds = array<i64: 128, 128>}, {pipeline_mode = #tpu.pipeline_mode<synchronous>, transform_indices = @transform_3, window_bounds = array<i64: 1, 128>}, {pipeline_mode = #tpu.pipeline_mode<synchronous>, transform_indices = @transform_4, window_bounds = array<i64: 1, 128>}, {pipeline_mode = #tpu.pipeline_mode<synchronous>, transform_indices = @transform_5, window_bounds = array<i64: 1, 128>}, {transform_indices = @transform_6, window_bounds = array<i64: 10, 8, 128>}, {transform_indices = @transform_7, window_bounds = array<i64: 10, 512, 128>}]} {
    %get3A = arith.constant 0 : index
    %get3A_0 = arith.constant 0 : index
    %get3A_1 = arith.constant 0 : index
    %get3A_2 = vector.load %arg1[%get3A, %get3A_0, %get3A_1] : memref<10x512x128xf32, #tpu.memory_space<vmem>>, vector<10x512x128xf32>
    %reshape3A = vector.shape_cast %get3A_2 : vector<10x512x128xf32> to vector<5120x128xf32>
    %get3A_3 = arith.constant 0 : index
    %get3A_4 = arith.constant 0 : index
    %get3A_5 = vector.load %arg3[%get3A_3, %get3A_4] : memref<128x128xf32, #tpu.memory_space<vmem>>, vector<128x128xf32>
    %dot_general3A = arith.constant dense<0.000000e+00> : vector<5120x128xf32>
    %dot_general3A_6 = tpu.matmul %reshape3A, %get3A_5, %dot_general3A {dimension_numbers = #tpu.dot_dimension_numbers<[1], [0], [0], [1], [0, 0, 1, 1], [], []>, transpose_lhs_hint = false} : vector<5120x128xf32>, vector<128x128xf32>, vector<5120x128xf32> -> vector<5120x128xf32>
    %get3A_7 = arith.constant 0 : index
    %get3A_8 = arith.constant 0 : index
    %get3A_9 = vector.load %arg4[%get3A_7, %get3A_8] : memref<1x128xf32, #tpu.memory_space<vmem>>, vector<1x128xf32>
    %add3A = vector.broadcast %get3A_9 : vector<1x128xf32> to vector<5120x128xf32>
    %add3A_10 = arith.addf %dot_general3A_6, %add3A : vector<5120x128xf32>
    %get3A_11 = arith.constant 0 : index
    %get3A_12 = arith.constant 0 : index
    %get3A_13 = arith.constant 0 : index
    %get3A_14 = vector.load %arg2[%get3A_11, %get3A_12, %get3A_13] : memref<10x512x128xf32, #tpu.memory_space<vmem>>, vector<10x512x128xf32>
    %reshape3A_15 = vector.shape_cast %get3A_14 : vector<10x512x128xf32> to vector<5120x128xf32>
    %add3A_16 = arith.addf %add3A_10, %reshape3A_15 : vector<5120x128xf32>
    %reduce_sum3A = arith.constant dense<0.000000e+00> : vector<5120xf32>
    %reduce_sum3A_17 = vector.multi_reduction <add>, %add3A_16, %reduce_sum3A [1] : vector<5120x128xf32> to vector<5120xf32>
    %broadcast_in_dim3A = vector.shape_cast %reduce_sum3A_17 : vector<5120xf32> to vector<5120x1xf32>
    %div3A = arith.constant 1.280000e+02 : f32
    %div3A_18 = vector.broadcast %div3A : f32 to vector<5120x1xf32>
    %div3A_19 = arith.divf %broadcast_in_dim3A, %div3A_18 : vector<5120x1xf32>
    %sub3A = vector.broadcast %div3A_19 : vector<5120x1xf32> to vector<5120x128xf32>
    %sub3A_20 = arith.subf %add3A_16, %sub3A : vector<5120x128xf32>
    %mul3A = arith.mulf %sub3A_20, %sub3A_20 : vector<5120x128xf32>
    %reduce_sum3A_21 = arith.constant dense<0.000000e+00> : vector<5120xf32>
    %reduce_sum3A_22 = vector.multi_reduction <add>, %mul3A, %reduce_sum3A_21 [1] : vector<5120x128xf32> to vector<5120xf32>
    %broadcast_in_dim3A_23 = vector.shape_cast %reduce_sum3A_22 : vector<5120xf32> to vector<5120x1xf32>
    %div3A_24 = arith.constant 1.280000e+02 : f32
    %div3A_25 = vector.broadcast %div3A_24 : f32 to vector<5120x1xf32>
    %div3A_26 = arith.divf %broadcast_in_dim3A_23, %div3A_25 : vector<5120x1xf32>
    %add3A_27 = arith.constant 9.99999996E-13 : f32
    %add3A_28 = vector.broadcast %add3A_27 : f32 to vector<5120x1xf32>
    %add3A_29 = arith.addf %div3A_26, %add3A_28 : vector<5120x1xf32>
    %rsqrt3A = math.rsqrt %add3A_29 : vector<5120x1xf32>
    %mul3A_30 = vector.broadcast %rsqrt3A : vector<5120x1xf32> to vector<5120x128xf32>
    %mul3A_31 = arith.mulf %sub3A_20, %mul3A_30 : vector<5120x128xf32>
    %get3A_32 = arith.constant 0 : index
    %get3A_33 = arith.constant 0 : index
    %get3A_34 = vector.load %arg5[%get3A_32, %get3A_33] : memref<1x128xf32, #tpu.memory_space<vmem>>, vector<1x128xf32>
    %mul3A_35 = vector.broadcast %get3A_34 : vector<1x128xf32> to vector<5120x128xf32>
    %mul3A_36 = arith.mulf %mul3A_31, %mul3A_35 : vector<5120x128xf32>
    %get3A_37 = arith.constant 0 : index
    %get3A_38 = arith.constant 0 : index
    %get3A_39 = vector.load %arg6[%get3A_37, %get3A_38] : memref<1x128xf32, #tpu.memory_space<vmem>>, vector<1x128xf32>
    %add3A_40 = vector.broadcast %get3A_39 : vector<1x128xf32> to vector<5120x128xf32>
    %add3A_41 = arith.addf %mul3A_36, %add3A_40 : vector<5120x128xf32>
    %reshape3A_42 = vector.shape_cast %add3A_41 : vector<5120x128xf32> to vector<10x512x128xf32>
    %swap3A = arith.constant 0 : index
    %swap3A_43 = arith.constant 0 : index
    %swap3A_44 = arith.constant 0 : index
    %swap3A_45 = vector.load %arg8[%swap3A, %swap3A_43, %swap3A_44] : memref<10x512x128xf32, #tpu.memory_space<vmem>>, vector<10x512x128xf32>
    tpu.vector_store %arg8[%swap3A, %swap3A_43, %swap3A_44], %reshape3A_42 {strides = array<i32>} : memref<10x512x128xf32, #tpu.memory_space<vmem>>, vector<10x512x128xf32>,
    return
  }
  func.func @transform_0(%arg0: i32) -> (i32, i32, i32) {
    %c1_i32 = arith.constant 1 : i32
    %c0_i32 = arith.constant 0 : i32
    %c0_i32_0 = arith.constant 0 : i32
    return %c1_i32, %arg0, %c0_i32 : i32, i32, i32
  }
  func.func @transform_1(%arg0: i32) -> (i32, i32, i32) {
    %c0_i32 = arith.constant 0 : i32
    %c0_i32_0 = arith.constant 0 : i32
    %c0_i32_1 = arith.constant 0 : i32
    return %c0_i32, %arg0, %c0_i32_0 : i32, i32, i32
  }
  func.func @transform_2(%arg0: i32) -> (i32, i32) {
    %c0_i32 = arith.constant 0 : i32
    %c0_i32_0 = arith.constant 0 : i32
    %c0_i32_1 = arith.constant 0 : i32
    return %c0_i32, %c0_i32_0 : i32, i32
  }
  func.func @transform_3(%arg0: i32) -> (i32, i32) {
    %c0_i32 = arith.constant 0 : i32
    %c0_i32_0 = arith.constant 0 : i32
    %c0_i32_1 = arith.constant 0 : i32
    return %c0_i32, %c0_i32_0 : i32, i32
  }
  func.func @transform_4(%arg0: i32) -> (i32, i32) {
    %c0_i32 = arith.constant 0 : i32
    %c0_i32_0 = arith.constant 0 : i32
    %c0_i32_1 = arith.constant 0 : i32
    return %c0_i32, %c0_i32_0 : i32, i32
  }
  func.func @transform_5(%arg0: i32) -> (i32, i32) {
    %c0_i32 = arith.constant 0 : i32
    %c0_i32_0 = arith.constant 0 : i32
    %c0_i32_1 = arith.constant 0 : i32
    return %c0_i32, %c0_i32_0 : i32, i32
  }
  func.func @transform_6(%arg0: i32) -> (i32, i32, i32) {
    %c0_i32 = arith.constant 0 : i32
    %c0_i32_0 = arith.constant 0 : i32
    %c0_i32_1 = arith.constant 0 : i32
    %c0_i32_2 = arith.constant 0 : i32
    return %c0_i32, %c0_i32_0, %c0_i32_1 : i32, i32, i32
  }
  func.func @transform_7(%arg0: i32) -> (i32, i32, i32) {
    %c1_i32 = arith.constant 1 : i32
    %c0_i32 = arith.constant 0 : i32
    %c0_i32_0 = arith.constant 0 : i32
    return %c1_i32, %arg0, %c0_i32 : i32, i32, i32
  }
}

module attributes {stable_mosaic.version = 14 : i64} {
  func.func @_tc_body(%arg0: i32, %arg1: memref<10x512x128xf32, #tpu.memory_space<vmem>>, %arg2: memref<10x512x128xf32, #tpu.memory_space<vmem>>, %arg3: memref<128x128xf32, #tpu.memory_space<vmem>>, %arg4: memref<1x128xf32, #tpu.memory_space<vmem>>, %arg5: memref<1x128xf32, #tpu.memory_space<vmem>>, %arg6: memref<1x128xf32, #tpu.memory_space<vmem>>, %arg7: memref<10x512x128xf32, #tpu.memory_space<vmem>>) attributes {dimension_semantics = [#tpu.dimension_semantics<parallel>], iteration_bounds = array<i64: 32>, scalar_prefetch = 0 : i64, scratch_operands = 0 : i64, tpu.core_type = #tpu.core_type<tc>, window_params = [{transform_indices = @transform_0, window_bounds = array<i64: 10, 512, 128>}, {transform_indices = @transform_1, window_bounds = array<i64: 10, 512, 128>}, {pipeline_mode = #tpu.pipeline_mode<synchronous>, transform_indices = @transform_2, window_bounds = array<i64: 128, 128>}, {pipeline_mode = #tpu.pipeline_mode<synchronous>, transform_indices = @transform_3, window_bounds = array<i64: 1, 128>}, {pipeline_mode = #tpu.pipeline_mode<synchronous>, transform_indices = @transform_4, window_bounds = array<i64: 1, 128>}, {pipeline_mode = #tpu.pipeline_mode<synchronous>, transform_indices = @transform_5, window_bounds = array<i64: 1, 128>}, {transform_indices = @transform_6, window_bounds = array<i64: 10, 512, 128>}]} {
    %get3A = arith.constant 0 : index
    %get3A_0 = arith.constant 0 : index
    %get3A_1 = arith.constant 0 : index
    %get3A_2 = vector.load %arg1[%get3A, %get3A_0, %get3A_1] : memref<10x512x128xf32, #tpu.memory_space<vmem>>, vector<10x512x128xf32>
    %reshape3A = vector.shape_cast %get3A_2 : vector<10x512x128xf32> to vector<5120x128xf32>
    %get3A_3 = arith.constant 0 : index
    %get3A_4 = arith.constant 0 : index
    %get3A_5 = vector.load %arg3[%get3A_3, %get3A_4] : memref<128x128xf32, #tpu.memory_space<vmem>>, vector<128x128xf32>
    %dot_general3A = arith.constant dense<0.000000e+00> : vector<5120x128xf32>
    %dot_general3A_6 = tpu.matmul %reshape3A, %get3A_5, %dot_general3A {dimension_numbers = #tpu.dot_dimension_numbers<[1], [0], [0], [1], [0, 0, 1, 1], [], []>, transpose_lhs_hint = false} : vector<5120x128xf32>, vector<128x128xf32>, vector<5120x128xf32> -> vector<5120x128xf32>
    %get3A_7 = arith.constant 0 : index
    %get3A_8 = arith.constant 0 : index
    %get3A_9 = vector.load %arg4[%get3A_7, %get3A_8] : memref<1x128xf32, #tpu.memory_space<vmem>>, vector<1x128xf32>
    %add3A = vector.broadcast %get3A_9 : vector<1x128xf32> to vector<5120x128xf32>
    %add3A_10 = arith.addf %dot_general3A_6, %add3A : vector<5120x128xf32>
    %get3A_11 = arith.constant 0 : index
    %get3A_12 = arith.constant 0 : index
    %get3A_13 = arith.constant 0 : index
    %get3A_14 = vector.load %arg2[%get3A_11, %get3A_12, %get3A_13] : memref<10x512x128xf32, #tpu.memory_space<vmem>>, vector<10x512x128xf32>
    %reshape3A_15 = vector.shape_cast %get3A_14 : vector<10x512x128xf32> to vector<5120x128xf32>
    %add3A_16 = arith.addf %add3A_10, %reshape3A_15 : vector<5120x128xf32>
    %reduce_sum3A = arith.constant dense<0.000000e+00> : vector<5120xf32>
    %reduce_sum3A_17 = vector.multi_reduction <add>, %add3A_16, %reduce_sum3A [1] : vector<5120x128xf32> to vector<5120xf32>
    %broadcast_in_dim3A = vector.shape_cast %reduce_sum3A_17 : vector<5120xf32> to vector<5120x1xf32>
    %div3A = arith.constant 1.280000e+02 : f32
    %div3A_18 = vector.broadcast %div3A : f32 to vector<5120x1xf32>
    %div3A_19 = arith.divf %broadcast_in_dim3A, %div3A_18 : vector<5120x1xf32>
    %sub3A = vector.broadcast %div3A_19 : vector<5120x1xf32> to vector<5120x128xf32>
    %sub3A_20 = arith.subf %add3A_16, %sub3A : vector<5120x128xf32>
    %mul3A = arith.mulf %sub3A_20, %sub3A_20 : vector<5120x128xf32>
    %reduce_sum3A_21 = arith.constant dense<0.000000e+00> : vector<5120xf32>
    %reduce_sum3A_22 = vector.multi_reduction <add>, %mul3A, %reduce_sum3A_21 [1] : vector<5120x128xf32> to vector<5120xf32>
    %broadcast_in_dim3A_23 = vector.shape_cast %reduce_sum3A_22 : vector<5120xf32> to vector<5120x1xf32>
    %div3A_24 = arith.constant 1.280000e+02 : f32
    %div3A_25 = vector.broadcast %div3A_24 : f32 to vector<5120x1xf32>
    %div3A_26 = arith.divf %broadcast_in_dim3A_23, %div3A_25 : vector<5120x1xf32>
    %add3A_27 = arith.constant 9.99999996E-13 : f32
    %add3A_28 = vector.broadcast %add3A_27 : f32 to vector<5120x1xf32>
    %add3A_29 = arith.addf %div3A_26, %add3A_28 : vector<5120x1xf32>
    %rsqrt3A = math.rsqrt %add3A_29 : vector<5120x1xf32>
    %mul3A_30 = vector.broadcast %rsqrt3A : vector<5120x1xf32> to vector<5120x128xf32>
    %mul3A_31 = arith.mulf %sub3A_20, %mul3A_30 : vector<5120x128xf32>
    %get3A_32 = arith.constant 0 : index
    %get3A_33 = arith.constant 0 : index
    %get3A_34 = vector.load %arg5[%get3A_32, %get3A_33] : memref<1x128xf32, #tpu.memory_space<vmem>>, vector<1x128xf32>
    %mul3A_35 = vector.broadcast %get3A_34 : vector<1x128xf32> to vector<5120x128xf32>
    %mul3A_36 = arith.mulf %mul3A_31, %mul3A_35 : vector<5120x128xf32>
    %get3A_37 = arith.constant 0 : index
    %get3A_38 = arith.constant 0 : index
    %get3A_39 = vector.load %arg6[%get3A_37, %get3A_38] : memref<1x128xf32, #tpu.memory_space<vmem>>, vector<1x128xf32>
    %add3A_40 = vector.broadcast %get3A_39 : vector<1x128xf32> to vector<5120x128xf32>
    %add3A_41 = arith.addf %mul3A_36, %add3A_40 : vector<5120x128xf32>
    %reshape3A_42 = vector.shape_cast %add3A_41 : vector<5120x128xf32> to vector<10x512x128xf32>
    %swap3A = arith.constant 0 : index
    %swap3A_43 = arith.constant 0 : index
    %swap3A_44 = arith.constant 0 : index
    %swap3A_45 = vector.load %arg7[%swap3A, %swap3A_43, %swap3A_44] : memref<10x512x128xf32, #tpu.memory_space<vmem>>, vector<10x512x128xf32>
    tpu.vector_store %arg7[%swap3A, %swap3A_43, %swap3A_44], %reshape3A_42 {strides = array<i32>} : memref<10x512x128xf32, #tpu.memory_space<vmem>>, vector<10x512x128xf32>,
    return
  }
  func.func @transform_0(%arg0: i32) -> (i32, i32, i32) {
    %c0_i32 = arith.constant 0 : i32
    %c0_i32_0 = arith.constant 0 : i32
    %c0_i32_1 = arith.constant 0 : i32
    return %c0_i32, %arg0, %c0_i32_0 : i32, i32, i32
  }
  func.func @transform_1(%arg0: i32) -> (i32, i32, i32) {
    %c0_i32 = arith.constant 0 : i32
    %c0_i32_0 = arith.constant 0 : i32
    %c0_i32_1 = arith.constant 0 : i32
    return %c0_i32, %arg0, %c0_i32_0 : i32, i32, i32
  }
  func.func @transform_2(%arg0: i32) -> (i32, i32) {
    %c0_i32 = arith.constant 0 : i32
    %c0_i32_0 = arith.constant 0 : i32
    %c0_i32_1 = arith.constant 0 : i32
    return %c0_i32, %c0_i32_0 : i32, i32
  }
  func.func @transform_3(%arg0: i32) -> (i32, i32) {
    %c0_i32 = arith.constant 0 : i32
    %c0_i32_0 = arith.constant 0 : i32
    %c0_i32_1 = arith.constant 0 : i32
    return %c0_i32, %c0_i32_0 : i32, i32
  }
  func.func @transform_4(%arg0: i32) -> (i32, i32) {
    %c0_i32 = arith.constant 0 : i32
    %c0_i32_0 = arith.constant 0 : i32
    %c0_i32_1 = arith.constant 0 : i32
    return %c0_i32, %c0_i32_0 : i32, i32
  }
  func.func @transform_5(%arg0: i32) -> (i32, i32) {
    %c0_i32 = arith.constant 0 : i32
    %c0_i32_0 = arith.constant 0 : i32
    %c0_i32_1 = arith.constant 0 : i32
    return %c0_i32, %c0_i32_0 : i32, i32
  }
  func.func @transform_6(%arg0: i32) -> (i32, i32, i32) {
    %c0_i32 = arith.constant 0 : i32
    %c0_i32_0 = arith.constant 0 : i32
    %c0_i32_1 = arith.constant 0 : i32
    return %c0_i32, %arg0, %c0_i32_0 : i32, i32, i32
  }
}

</mosaic_0001>

<sc_bundles>
// kernel: kernel.6.cloned.1.call-start
scs
__scs_entry_jumppad:
0x0: {  	(pc) =	sbr.rel $0x88, $3  }
0x1: {  	(tag) =	ssettag $0x0;
	lr =	simm.s32 $0x1  }
0x2: {  	[smem:$0x3F96] =	sst lr;
	_ =	strace $0xD0000000  }
0x3: {  	_ = 	snop  }
0x4: {  	_ = 	snop  }
0x5: {  	_ = 	snop  }
0x6: {  	_ = 	snop  }
0x7: {  	_ = 	snop  }
__scs_overlays_trampoline_lowered:
0x8: {  	[smem:$0x3FA5] =	sst s0  }
0x9: {  	[smem:$0x3FA6] =	sst s1  }
0xa: {  	[smem:$0x3FA7] =	sst s2  }
0xb: {  	[smem:$0x3FA8] =	sst s3  }
0xc: {  	[smem:$0x3FA9] =	sst s4  }
0xd: {  	[smem:$0x3FAA] =	sst s5  }
0xe: {  	[smem:$0x3FAB] =	sst s6  }
0xf: {  	[smem:$0x3FAC] =	sst s7  }
0x10: {  	[smem:$0x3FAD] =	sst s8  }
0x11: {  	[smem:$0x3FAE] =	sst s9;
	s0 =	simm.s32 @!p0 $0x0  }
0x12: {  	s1 =	sld [smem:$0x3F94];
	s0 =	simm.s32 @p0 $0x1  }
0x13: {  	[smem:$0x3FAF] =	sst s0;
	s0 =	simm.s32 @!p1 $0x0  }
0x14: {  	s2 =	sld [smem:$0x3F93];
	s0 =	simm.s32 @p1 $0x1  }
0x15: {  	[smem:$0x3FB0] =	sst s0;
	s0 =	simm.s32 @!p2 $0x0  }
0x16: {  	s3 =	sld [smem:$0x3FDB];
	s0 =	simm.s32 @p2 $0x1  }
0x17: {  	s4 =	simm.s32 $0x1BF5;
	[smem:$0x3FB2] =	sst s0  }
0x18: {  	s0 =	sld [smem:$0x3F95];
	_ =	swait.ge [sflag:s4], $0x0  }
0x19: {  	s7 =	sld [smem:$0x3F96]  }
0x1a: {  	s8 =	sadd.s32 $0xFFFFE003, lr  }
0x1b: {  	s9 =	sadd.s32 $0xFFFFFEF7, lr;
	s5 =	simm.s32 $0xFFFFFFFF;
	p2 =	slt.u32 s8, $0xFFFFF086  }
0x1c: {  	p1 =	slt.u32 s9, $0xF7A;
	s5 =	simm.s32 @!p2 $0x0  }
0x1d: {  	s5 =	simm.s32 @p1 $0x1;
	p0 =	seq.s32 s7, s2  }
0x1e: {  	s7 =	smul.u32 @!p0 $0xF7A, s2;
	p2 =	seq.s32 @!p0 s5, $0x0  }
0x1f: {  	s9 =	smul.u32 $0xF7A, s1;
	s8 =	simm.s32 @!p0 $0x1BF5;
	p2 =	por !p2, p0  }
0x20: {  	[sflag:s8] =	ssyncset.s32 @!p0 $0xFFFFF086;
	s6 =	sadd.s32 @!p0 s3, s7;
	s7 =	simm.s32 @!p0 $0x108  }
0x21: {  	s3 =	sadd.s32 s3, s9;
	s6 =	sadd.s32 @!p0 $0x88, s6;
	s7 =	simm.s32 @p2 $0x1082  }
0x22: {  	[simem:s7], [sflag:s8] =	dma.local @!p0 [hbm:s6], $0xF7A  }
0x23: {  	s9 =	sor.u32 $0xD0000000, s2;
	s6 =	simm.s32 $0x108;
	_ =	swait.ge @!p0 [sflag:s8], $0x0  }
0x24: {  	s3 =	sadd.s32 $0x88, s3;
	s6 =	simm.s32 @!p1 $0x1082;
	[sflag:s4] =	ssyncset.s32 $0xFFFFF086  }
0x25: {  	[simem:s6], [sflag:s4] =	dma.local [hbm:s3], $0xF7A  }
0x26: {  	[smem:$0x3F96] =	sst s1;
	(tag) =	ssettag s2;
	_ =	strace s9  }
0x27: {  	s1 =	sld [smem:$0x3FA6]  }
0x28: {  	s2 =	sld [smem:$0x3FA7]  }
0x29: {  	s4 =	sld [smem:$0x3FA9]  }
0x2a: {  	p0 =	seq.s32 s5, $0x0;
	s5 =	sld [smem:$0x3FAA]  }
0x2b: {  	s6 =	sld [smem:$0x3FAB]  }
0x2c: {  	s7 =	sld [smem:$0x3FAC]  }
0x2d: {  	s3 =	simm.s32 $0x108;
	s8 =	sld [smem:$0x3FAD]  }
0x2e: {  	s3 =	simm.s32 @!p0 $0x1082;
	s9 =	sld [smem:$0x3FAE]  }
0x2f: {  	lr =	sadd.s32 s0, s3;
	s0 =	sld [smem:$0x3FA5]  }
0x30: {  	s3 =	sld [smem:$0x3FA8]  }
0x31: {  	[smem:$0x3FB1] =	sst s10  }
0x32: {  	s10 =	sld [smem:$0x3FAF];
	_ =	sdelay $0x3  }
0x33: {  	p0 =	seq.s32 s10, $0x1;
	s10 =	sld [smem:$0x3FB1];
	_ =	sdelay $0x3  }
0x34: {  	[smem:$0x3FB1] =	sst s10  }
0x35: {  	s10 =	sld [smem:$0x3FB0];
	_ =	sdelay $0x3  }
0x36: {  	p1 =	seq.s32 s10, $0x1;
	s10 =	sld [smem:$0x3FB1];
	_ =	sdelay $0x3  }
0x37: {  	[smem:$0x3FB1] =	sst s10  }
0x38: {  	s10 =	sld [smem:$0x3FB2]  }
0x39: {  	_ = 	snop;
	(pc) =	sbr.ind lr, $3  }
0x3a: {  	_ = 	snop  }
0x3b: {  	_ = 	snop  }
0x3c: {  	p2 =	seq.s32 s10, $0x1;
	s10 =	sld [smem:$0x3FB1]  }
0x3d: {  	_ =	shalt  }
0x3e: {  	_ =	shalt  }
0x3f: {  	_ =	shalt  }
0x40: {  	_ =	shalt  }
0x41: {  	_ =	shalt  }
0x42: {  	_ =	shalt  }
0x43: {  	_ =	shalt  }
0x44: {  	_ =	shalt  }
0x45: {  	_ =	shalt  }
0x46: {  	_ =	shalt  }
0x47: {  	_ =	shalt  }
0x48: {  	_ =	shalt  }
0x49: {  	_ =	shalt  }
0x4a: {  	_ =	shalt  }
0x4b: {  	_ =	shalt  }
0x4c: {  	_ =	shalt  }
0x4d: {  	_ =	shalt  }
0x4e: {  	_ =	shalt  }
0x4f: {  	_ =	shalt  }
0x50: {  	_ =	shalt  }
0x51: {  	_ =	shalt  }
0x52: {  	_ =	shalt  }
0x53: {  	_ =	shalt  }
0x54: {  	_ =	shalt  }
0x55: {  	_ =	shalt  }
0x56: {  	_ =	shalt  }
0x57: {  	_ =	shalt  }
0x58: {  	_ =	shalt  }
0x59: {  	_ =	shalt  }
0x5a: {  	_ =	shalt  }
0x5b: {  	_ =	shalt  }
0x5c: {  	_ =	shalt  }
0x5d: {  	_ =	shalt  }
0x5e: {  	_ =	shalt  }
0x5f: {  	_ =	shalt  }
0x60: {  	_ =	shalt  }
0x61: {  	_ =	shalt  }
0x62: {  	_ =	shalt  }
0x63: {  	_ =	shalt  }
0x64: {  	_ =	shalt  }
0x65: {  	_ =	shalt  }
0x66: {  	_ =	shalt  }
0x67: {  	_ =	shalt  }
0x68: {  	_ =	shalt  }
0x69: {  	_ =	shalt  }
0x6a: {  	_ =	shalt  }
0x6b: {  	_ =	shalt  }
0x6c: {  	_ =	shalt  }
0x6d: {  	_ =	shalt  }
0x6e: {  	_ =	shalt  }
0x6f: {  	_ =	shalt  }
0x70: {  	_ =	shalt  }
0x71: {  	_ =	shalt  }
0x72: {  	_ =	shalt  }
0x73: {  	_ =	shalt  }
0x74: {  	_ =	shalt  }
0x75: {  	_ =	shalt  }
0x76: {  	_ =	shalt  }
0x77: {  	_ =	shalt  }
0x78: {  	_ =	shalt  }
0x79: {  	_ =	shalt  }
0x7a: {  	_ =	shalt  }
0x7b: {  	_ =	shalt  }
0x7c: {  	_ =	shalt  }
0x7d: {  	_ =	shalt  }
0x7e: {  	_ =	shalt  }
0x7f: {  	_ =	shalt  }
0x80: {  	_ =	shalt  }
0x81: {  	_ =	shalt  }
0x82: {  	_ =	shalt  }
0x83: {  	_ =	shalt  }
0x84: {  	_ =	shalt  }
0x85: {  	_ =	shalt  }
0x86: {  	_ =	shalt  }
0x87: {  	_ =	shalt  }
.Lfunc_end0:
.L_simem_size_0:
called_computation_lowered:
.L_overlay_start_0:
0x88: {  	s2 =	sld [smem:$0x3FD9]  }
0x89: {  	s3 =	sld [smem:$0x3FFE];
	_ =	sdelay $0x1  }
0x8a: {  	s1 =	srdreg.scid  }
0x8b: {  	s0 =	sand.u32 $0x1, s1  }
0x8c: {  	s17 =	sshll.u32 s0, $0xA;
	s2 =	sadd.s32 s3, s2  }
0x8d: {  	s2 =	sadd.s32 s2, s17  }
0x8e: {  	[smem:$0x3FBD] =	sst s2  }
0x8f: {  	_ = 	snop  }
0x90: {  	s2 =	sld [smem:$0x3FC3]  }
0x91: {  	s18 =	sld [smem:$0x3FC2]  }
0x92: {  	s4 =	sld [smem:$0x3FC1];
	(tm) =	ssettm $0x1  }
0x93: {  	s5 =	sld [smem:$0x3FFB];
	_ =	sdelay $0x3  }
0x94: {  	_ =	strace s5  }
0x95: {  	s5 =	sld [smem:$0x3FFC];
	_ =	sdelay $0x3  }
0x96: {  	_ =	strace s5  }
0x97: {  	s5 =	sld [smem:$0x3FFD];
	_ =	sdelay $0x3  }
0x98: {  	_ =	strace s5  }
0x99: {  	_ =	strace $0x8FFFFFFF  }
0x9a: {  	s19 =	sld [smem:$0x3FDB];
	_ =	sdelay $0x1  }
0x9b: {  	s6 =	simm.s32 $_scs_section_size  }
0x9c: {  	s7 =	simm.s32 $_size__tile_overlayer_lowered;
	s8 =	simm.s32 $_tile_overlayer_lowered  }
0x9d: {  	s22 =	simm.s32 $0x1BFF;
	s21 =	sshll.u32 s8, $0x1;
	s5 =	sadd.s32 s6, s19  }
0x9e: {  	s9 =	simm.s32 $0x0;
	s20 =	sshll.u32 s7, $0x1;
	s7 =	sadd.s32 s21, s5  }
0x9f: {  	[timem:s9], [sflag:s22] =	dma.local [hbm:s7], s20  }
0xa0: {  	_ =	swait.ge [sflag:s22], s20  }
0xa1: {  	s6 =	ssub.s32 $0x0, s20;
	[sflag:s22] =	ssyncset.done $0x0  }
0xa2: {  	[sflag:s22] =	ssyncadd.s32 s6;
	_ =	sdelay $0x1  }
0xa3: {  	s23 =	simm.s32 $0x1B8B  }
0xa4: {  	_ =	swait.ge [sflag:s23], $0x1  }
0xa5: {  	[sflag:s23] =	ssyncset.done $0x0  }
0xa6: {  	s25 =	simm.s32 $0x1B8E;
	s24 =	sld [smem:$0x3FFE];
	[sflag:s23] =	ssyncadd.s32 $0xFFFFFFFF  }
0xa7: {  	s26 =	simm.s32 $execute0_lowered;
	[smem:$0x3FD2] =	sst s25  }
0xa8: {  	s7 =	sshll.u32 s26, $0x1;
	_ =	strace $0x80000046;
	[dreg:$0x1] =	wrdreg $0xFFFFFFFF  }
0xa9: {  	s28 =	simm.s32 $_size_execute0_lowered;
	s5 =	sadd.s32 s5, s7;
	[dreg:$0x0] =	wrdreg $0x0  }
0xaa: {  	s7 =	sshll.u32 s28, $0x1;
	[dreg:$0x2] =	wrdreg s5  }
0xab: {  	[dreg:$0x3] =	wrdreg s7  }
0xac: {  	[dreg:$0x4] =	wrdreg $0xC0  }
0xad: {  	_ =	task [dreg:s9], $0x5FFFF  }
0xae: {  	[dreg:$0x1] =	wrdreg $0xFFFFFFFF  }
0xaf: {  	[dreg:$0x0] =	wrdreg $0x60  }
0xb0: {  	[dreg:$0x2] =	wrdreg s2  }
0xb1: {  	[dreg:$0x3] =	wrdreg s18  }
0xb2: {  	[dreg:$0x4] =	wrdreg s4  }
0xb3: {  	[dreg:$0x5] =	wrdreg s24  }
0xb4: {  	[dreg:$0x6] =	wrdreg $0x9  }
0xb5: {  	_ =	task.clear_ibuf [dreg:s9], $0x7FFFF;
	_ =	strace $0x90000046  }
0xb6: {  	s29 =	simm.s32 $0x9;
	_ =	strace $0x80000048  }
0xb7: {  	_ =	swait.ge [sflag:s29], $0x1  }
0xb8: {  	[sflag:s29] =	ssyncadd.s32 $0xFFFFFFFF  }
0xb9: {  	_ =	strace $0x90000048  }
0xba: {  	_ =	sfence  }
0xbb: {  	s30 =	sld [smem:$0x0];
	_ =	sdelay $0x2  }
0xbc: {  	s31 =	sshll.u32 s1, $0xD;
	s1 =	sshrl.u32 s1, $0x2  }
0xbd: {  	s3 =	sand.u32 $0x4000, s31;
	s1 =	sadd.s32 s1, s30  }
0xbe: {  	s0 =	sor.u32 s3, s0;
	s1 =	sshll.u32 s1, $0x11  }
0xbf: {  	s0 =	sor.u32 s1, s0  }
0xc0: {  	s0 =	sadd.s32 $0x8F2B, s0  }
0xc1: {  	[sflag:s0] =	ssyncadd.remote.s32 $0x1  }
0xc2: {  	_ =	sfence.sel $0xFFFF  }
0xc3: {  	[dreg:$0x0] =	wrdreg $0xFFFFFFFF;
	(pc) =	sbr.abs _section_cstart, $3  }
0xc4: {  	[dreg:$0x1] =	wrdreg $0xFFFFFFFF  }
0xc5: {  	_ =	task.clear_ibuf [dreg:s9], $0x2FFFF;
	_ =	strace $0x9FFFFFFF  }
0xc6: {  	(tm) =	ssettm $0x7FFFFFFF  }
0xc7: {  	_ =	shalt  }
tec
execute0_lowered:
.L_overlay_start_1:
0x0: {  	(tag) =	ssettag $0x1  }
0x1: {  	s1 =	rddreg [dreg:$0x0]  }
0x2: {  	s2 =	rddreg [dreg:$0x1]  }
0x3: {  	s4 =	rddreg [dreg:$0x2]  }
0x4: {  	s0 =	rddreg [dreg:$0x3]  }
0x5: {  	s3 =	srdreg.scid;
	s6 =	stileid.u32;
	s5 =	simm.s32 $0x0  }
0x6: {  	s28 =	simm.s32 $0x180;
	s29 =	simm.s32 $0x200;
	s30 =	simm.s32 $0x280  }
0x7: {  	s31 =	simm.s32 $0x2;
	s3 =	sand.u32 $0x1, s3;
	s6 =	sshll.u32 s6, $0x1  }
0x8: {  	[smem:$0x7FF] =	sst s5;
	s7 =	sadd.s32 $0xEC00, s0;
	s8 =	sadd.s32 $0x1BC00, s0  }
0x9: {  	s9 =	sadd.s32 $0x20C00, s0;
	s10 =	sor.u32 s3, s6;
	s3 =	ssub.s32 $0x2, s3  }
0xa: {  	_ =	strace $0x80000047;
	s11 =	smul.u32 $0x1400, s10;
	s20 =	sshrl.u32 s3, $0x1  }
0xb: {  	s6 =	sadd.s32 $0x1C00, s0;
	s13 =	smul.u32 $0xA0000, s10;
	s0 =	ssub.s32 s3, s20  }
0xc: {  	s10 =	simm.s32 $0x5;
	s12 =	sshrl.u32 s11, $0x3;
	s0 =	smax.u32 s0, $0x1  }
0xd: {  	s17 =	sor.u32 $0x100, s11;
	s21 =	sadd.s32 s6, s12;
	[dreg:$0xb] =	wrdreg s0  }
0xe: {  	s18 =	sor.u32 $0x180, s11;
	s22 =	sadd.s32 s7, s12;
	[dreg:$0x5] =	wrdreg s21  }
0xf: {  	s23 =	sadd.s32 s8, s12;
	s24 =	sor.u32 $0x10, s12;
	[dreg:$0x6] =	wrdreg s22  }
0x10: {  	s19 =	sor.u32 $0x4000, s13;
	[dreg:$0x7] =	wrdreg s23;
	s25 =	sadd.s32 s6, s24  }
0x11: {  	s0 =	simm.s32 $0xC300;
	s26 =	sadd.s32 s7, s24;
	[dreg:$0x8] =	wrdreg s25  }
0x12: {  	s12 =	simm.s32 $0x0;
	s3 =	sadd.s32 s8, s24;
	[dreg:$0x9] =	wrdreg s26  }
0x13: {  	s21 =	simm.s32 $0x80;
	s24 =	simm.s32 $0x300;
	[dreg:$0xa] =	wrdreg s3  }
0x14: {  	s3 =	simm.s32 $0x10300;
	s25 =	simm.s32 $0x14300;
	s26 =	simm.s32 $0x3  }
.LBB2_1:
0x15: {  	s11 =	rddreg [dreg:$0x5]  }
0x16: {  	[tilespmem:s5], [sflag:$0x1] =	stream.linear.gather [hbm4b:s11+s5], $0x80, $0x38;
	[tilespmem:$0x18300] =	vst v63  }
0x17: {  	s20 =	rddreg [dreg:$0x6]  }
0x18: {  	[tilespmem:s21], [sflag:$0x1] =	stream.linear.gather [hbm4b:s20+s5], $0x80, $0x38;
	[tilespmem:$0x18300] =	vst v63  }
0x19: {  	s22 =	rddreg [dreg:$0x7];
	s14 =	simm.s32 $0x100;
	s23 =	simm.s32 $0x1  }
0x1a: {  	[tilespmem:s14], [sflag:$0x1] =	stream.linear.gather [hbm4b:s22+s5], $0x80, $0x38;
	[tilespmem:$0x18300] =	vst v63  }
0x1b: {  	_ =	swait.ge [sflag:s23], $0x80  }
0x1c: {  	[sflag:s23] =	ssyncset.done $0x0  }
0x1d: {  	[sflag:s23] =	ssyncadd.s32 $0xFFFFFF80  }
0x1e: {  	_ =	swait.ge [sflag:s23], $0x80  }
0x1f: {  	[sflag:s23] =	ssyncset.done $0x0  }
0x20: {  	[sflag:s23] =	ssyncadd.s32 $0xFFFFFF80  }
0x21: {  	_ =	swait.ge [sflag:s23], $0x80  }
0x22: {  	[sflag:s23] =	ssyncset.done $0x0  }
0x23: {  	[sflag:s23] =	ssyncadd.s32 $0xFFFFFF80  }
0x24: {  	[tilespmem:s24], [sflag:$0x3] =	stream.indirect.gather [hbm4b:s1+s21], $0x80, s5, s21, $0xb8;
	[tilespmem:$0x18300] =	vst v63  }
0x25: {  	s15 =	simm.s32 $0x4300  }
0x26: {  	[tilespmem:s15], [sflag:$0x3] =	stream.indirect.gather [hbm4b:s2+s21], $0x80, s21, s21, $0xb8;
	[tilespmem:$0x18300] =	vst v63  }
0x27: {  	s16 =	simm.s32 $0x8300  }
0x28: {  	[tilespmem:s16], [sflag:$0x3] =	stream.indirect.gather [hbm4b:s4+s21], $0x80, s14, s21, $0xb8;
	[tilespmem:$0x18300] =	vst v63  }
0x29: {  	s20 =	rddreg [dreg:$0x8]  }
0x2a: {  	[tilespmem:s28], [sflag:$0x2] =	stream.linear.gather [hbm4b:s20+s5], $0x80, $0x38;
	[tilespmem:$0x18300] =	vst v63  }
0x2b: {  	s22 =	rddreg [dreg:$0x9]  }
0x2c: {  	[tilespmem:s29], [sflag:$0x2] =	stream.linear.gather [hbm4b:s22+s5], $0x80, $0x38;
	[tilespmem:$0x18300] =	vst v63  }
0x2d: {  	s23 =	rddreg [dreg:$0xa];
	s14 =	simm.s32 $0x0  }
0x2e: {  	[tilespmem:s30], [sflag:$0x2] =	stream.linear.gather [hbm4b:s23+s5], $0x80, $0x38;
	[tilespmem:$0x18300] =	vst v63  }
.LBB2_2:
0x2f: {  	p0 =	seq.s32 s14, $0x0  }
0x30: {  	s15 =	simm.s32 @!p0 $0x6  }
0x31: {  	_ =	swait.ge @!p0 [sflag:s15], $0x4000  }
0x32: {  	[sflag:s15] =	ssyncset.done @!p0 $0x0  }
0x33: {  	[sflag:s15] =	ssyncadd.s32 @!p0 $0xFFFFC000  }
0x34: {  	_ =	swait.ge [sflag:s31], $0x80  }
0x35: {  	[sflag:s31] =	ssyncset.done $0x0  }
0x36: {  	[sflag:s31] =	ssyncadd.s32 $0xFFFFFF80  }
0x37: {  	_ =	swait.ge [sflag:s31], $0x80  }
0x38: {  	[sflag:s31] =	ssyncset.done $0x0  }
0x39: {  	[sflag:s31] =	ssyncadd.s32 $0xFFFFFF80  }
0x3a: {  	_ =	swait.ge [sflag:s31], $0x80  }
0x3b: {  	[sflag:s31] =	ssyncset.done $0x0  }
0x3c: {  	[sflag:s31] =	ssyncadd.s32 $0xFFFFFF80  }
0x3d: {  	[tilespmem:s0], [sflag:$0x4] =	stream.indirect.gather [hbm4b:s1+s21], $0x80, s28, s21, $0xb8;
	[tilespmem:$0x18300] =	vst v63  }
0x3e: {  	_ = 	snop  }
0x3f: {  	[tilespmem:s3], [sflag:$0x4] =	stream.indirect.gather [hbm4b:s2+s21], $0x80, s29, s21, $0xb8;
	[tilespmem:$0x18300] =	vst v63  }
0x40: {  	_ = 	snop  }
0x41: {  	[tilespmem:s25], [sflag:$0x4] =	stream.indirect.gather [hbm4b:s4+s21], $0x80, s30, s21, $0xb8;
	[tilespmem:$0x18300] =	vst v63  }
0x42: {  	_ =	swait.ge [sflag:s26], $0x4000  }
0x43: {  	[sflag:s26] =	ssyncset.done $0x0  }
0x44: {  	[sflag:s26] =	ssyncadd.s32 $0xFFFFC000  }
0x45: {  	_ =	swait.ge [sflag:s26], $0x4000  }
0x46: {  	p0 =	seq.s32 s14, $0x13;
	[sflag:s26] =	ssyncset.done $0x0  }
0x47: {  	s22 =	sshll.u32 @!p0 s14, $0x8;
	[sflag:s26] =	ssyncadd.s32 $0xFFFFC000  }
0x48: {  	s15 =	sadd.s32 @!p0 s22, s17;
	_ =	swait.ge [sflag:s26], $0x4000  }
0x49: {  	s15 =	sshrl.u32 @!p0 s15, $0x3;
	[sflag:s26] =	ssyncset.done $0x0  }
0x4a: {  	s20 =	simm.s32 @!p0 $0x0;
	s16 =	sadd.s32 @!p0 s6, s15;
	[sflag:s26] =	ssyncadd.s32 $0xFFFFC000  }
0x4b: {  	[tilespmem:s20], [sflag:$0x1] =	stream.linear.gather @!p0 [hbm4b:s16+s20], $0x80, $0x38;
	[tilespmem:$0x18300] =	vst v63  }
0x4c: {  	s11 =	simm.s32 @!p0 $0x80;
	s16 =	sadd.s32 @!p0 s7, s15  }
0x4d: {  	[tilespmem:s11], [sflag:$0x1] =	stream.linear.gather @!p0 [hbm4b:s16+s20], $0x80, $0x38;
	[tilespmem:$0x18300] =	vst v63  }
0x4e: {  	s11 =	sadd.s32 @!p0 s8, s15;
	s15 =	simm.s32 @!p0 $0x100;
	s16 =	simm.s32 $0x0  }
0x4f: {  	[tilespmem:s15], [sflag:$0x1] =	stream.linear.gather @!p0 [hbm4b:s11+s20], $0x80, $0x38;
	[tilespmem:$0x18300] =	vst v63  }
0x50: {  	v5 =	vld [tilespmem:s16+$0x8300]  }
0x51: {  	v4 =	vld [tilespmem:s16+$0x8310]  }
0x52: {  	v3 =	vld [tilespmem:s16+$0x8320]  }
0x53: {  	v2 =	vld [tilespmem:s16+$0x8330]  }
0x54: {  	v1 =	vld [tilespmem:s16+$0x8340]  }
0x55: {  	v0 =	vld [tilespmem:s16+$0x8350]  }
0x56: {  	v12 =	vld [tilespmem:s16+$0x4300]  }
0x57: {  	v17 =	vld [tilespmem:s16+$0x4310]  }
0x58: {  	v11 =	vld [tilespmem:s16+$0x4320]  }
0x59: {  	v10 =	vld [tilespmem:s16+$0x4330]  }
0x5a: {  	v9 =	vld [tilespmem:s16+$0x4340]  }
0x5b: {  	v8 =	vld [tilespmem:s16+$0x4350]  }
0x5c: {  	v7 =	vld [tilespmem:s16+$0x4360]  }
0x5d: {  	v6 =	vld [tilespmem:s16+$0x4370]  }
0x5e: {  	v18 =	vld [tilespmem:s16+$0x300]  }
0x5f: {  	v19 =	vld [tilespmem:s16+$0x310]  }
0x60: {  	v16 =	vld [tilespmem:s16+$0x320]  }
0x61: {  	v15 =	vld [tilespmem:s16+$0x330]  }
0x62: {  	v14 =	vld [tilespmem:s16+$0x340]  }
0x63: {  	v13 =	vld [tilespmem:s16+$0x350];
	v18 =	vadd.f32 v12, v18  }
0x64: {  	s15 =	sshll.u32 s14, $0xF;
	s20 =	simm.s32 $0x200;
	v17 =	vadd.f32 v17, v19;
	v12 =	vld [tilespmem:s16+$0x360]  }
.LBB2_3:
0x65: {  	p1 =	sne.s32 s20, $0xFE00;
	v5 =	vadd.f32 v5, v18;
	v11 =	vadd.f32 v11, v16;
	v16 =	vld [tilespmem:s16+$0x370]  }
0x66: {  	v4 =	vadd.f32 v4, v17;
	v10 =	vadd.f32 v10, v15;
	v15 =	vld [tilespmem:s16+$0x8360]  }
0x67: {  	s11 =	sshra.s32 s20, $0x2;
	[tilespmem:s16+$0x300] =	vst v5;
	v3 =	vadd.f32 v3, v11;
	v9 =	vadd.f32 v9, v14;
	v11 =	vld [tilespmem:s16+$0x8370]  }
0x68: {  	v5 =	vld [tilespmem:s11+$0x8300];
	[tilespmem:s16+$0x310] =	vst v4;
	v2 =	vadd.f32 v2, v10;
	v8 =	vadd.f32 v8, v13  }
0x69: {  	v4 =	vld [tilespmem:s11+$0x8310];
	[tilespmem:s16+$0x320] =	vst v3;
	v1 =	vadd.f32 v1, v9;
	v7 =	vadd.f32 v7, v12  }
0x6a: {  	v3 =	vld [tilespmem:s11+$0x8320];
	[tilespmem:s16+$0x330] =	vst v2;
	v0 =	vadd.f32 v0, v8;
	v6 =	vadd.f32 v6, v16  }
0x6b: {  	v2 =	vld [tilespmem:s11+$0x8330];
	[tilespmem:s16+$0x340] =	vst v1;
	v7 =	vadd.f32 v15, v7  }
0x6c: {  	v1 =	vld [tilespmem:s11+$0x8340];
	[tilespmem:s16+$0x350] =	vst v0;
	v6 =	vadd.f32 v11, v6  }
0x6d: {  	v0 =	vld [tilespmem:s11+$0x8350];
	[tilespmem:s16+$0x360] =	vst v7  }
0x6e: {  	v12 =	vld [tilespmem:s11+$0x4300];
	[tilespmem:s16+$0x370] =	vst v6;
	s16 =	smov.u32 s11  }
0x6f: {  	v17 =	vld [tilespmem:s16+$0x4310]  }
0x70: {  	v11 =	vld [tilespmem:s16+$0x4320]  }
0x71: {  	v10 =	vld [tilespmem:s16+$0x4330]  }
0x72: {  	v9 =	vld [tilespmem:s16+$0x4340]  }
0x73: {  	v8 =	vld [tilespmem:s16+$0x4350]  }
0x74: {  	v7 =	vld [tilespmem:s16+$0x4360]  }
0x75: {  	v6 =	vld [tilespmem:s16+$0x4370]  }
0x76: {  	v13 =	vld [tilespmem:s16+$0x300]  }
0x77: {  	v19 =	vld [tilespmem:s16+$0x310]  }
.Ltmp0:
0x78: {  	v16 =	vld [tilespmem:s16+$0x320];
	(pc) =	sbr.rel @p1 .LBB2_3-.Ltmp0, $4  }
0x79: {  	v15 =	vld [tilespmem:s16+$0x330]  }
0x7a: {  	v14 =	vld [tilespmem:s16+$0x340]  }
0x7b: {  	v18 =	vadd.f32 v12, v13;
	v13 =	vld [tilespmem:s16+$0x350]  }
0x7c: {  	s20 =	sadd.s32 $0x200, s20;
	v17 =	vadd.f32 v17, v19;
	v12 =	vld [tilespmem:s16+$0x360]  }
0x7d: {  	v5 =	vadd.f32 v5, v18;
	v18 =	vld [tilespmem:s16+$0x370];
	v11 =	vadd.f32 v11, v16  }
0x7e: {  	v16 =	vld [tilespmem:s16+$0x8360];
	v4 =	vadd.f32 v4, v17;
	v10 =	vadd.f32 v10, v15  }
0x7f: {  	[tilespmem:s16+$0x300] =	vst v5;
	v3 =	vadd.f32 v3, v11;
	v5 =	vadd.f32 v9, v14;
	v9 =	vld [tilespmem:s16+$0x8370]  }
0x80: {  	[tilespmem:s16+$0x310] =	vst v4;
	v2 =	vadd.f32 v2, v10;
	v4 =	vadd.f32 v8, v13  }
0x81: {  	[tilespmem:s16+$0x320] =	vst v3;
	v1 =	vadd.f32 v1, v5;
	v3 =	vadd.f32 v7, v12  }
0x82: {  	[tilespmem:s16+$0x330] =	vst v2;
	v0 =	vadd.f32 v0, v4;
	v2 =	vadd.f32 v6, v18  }
0x83: {  	[tilespmem:s16+$0x340] =	vst v1;
	v1 =	vadd.f32 v16, v3  }
0x84: {  	s11 =	sadd.s32 s13, s15;
	[tilespmem:s16+$0x350] =	vst v0;
	v0 =	vadd.f32 v9, v2  }
0x85: {  	s11 =	sshrl.u32 s11, $0x3;
	[tilespmem:s16+$0x360] =	vst v1  }
0x86: {  	s11 =	sadd.s32 s9, s11;
	[tilespmem:s16+$0x370] =	vst v0  }
0x87: {  	[hbm4b:s11+s5] =	stream.linear.scatter [tilespmem:s24], [sflag:$0x5], $0x4000, $0x38;
	[tilespmem:$0x18300] =	vst v63  }
0x88: {  	_ =	swait.ge [sflag:s10], $0x4000  }
0x89: {  	[sflag:s10] =	ssyncset.done $0x0  }
0x8a: {  	s11 =	simm.s32 @p0 $0x4;
	[sflag:s10] =	ssyncadd.s32 $0xFFFFC000  }
0x8b: {  	_ =	swait.ge @p0 [sflag:s11], $0x4000  }
0x8c: {  	[sflag:s11] =	ssyncset.done @p0 $0x0  }
0x8d: {  	[sflag:s11] =	ssyncadd.s32 @p0 $0xFFFFC000  }
0x8e: {  	_ =	swait.ge @p0 [sflag:s11], $0x4000  }
0x8f: {  	[sflag:s11] =	ssyncset.done @p0 $0x0  }
0x90: {  	[sflag:s11] =	ssyncadd.s32 @p0 $0xFFFFC000  }
0x91: {  	_ =	swait.ge @p0 [sflag:s11], $0x4000  }
0x92: {  	[sflag:s11] =	ssyncset.done @p0 $0x0  }
0x93: {  	[sflag:s11] =	ssyncadd.s32 @p0 $0xFFFFC000;
	s11 =	simm.s32 @!p0 $0x1  }
0x94: {  	_ =	swait.ge @!p0 [sflag:s11], $0x80  }
0x95: {  	[sflag:s11] =	ssyncset.done @!p0 $0x0  }
0x96: {  	[sflag:s11] =	ssyncadd.s32 @!p0 $0xFFFFFF80  }
0x97: {  	_ =	swait.ge @!p0 [sflag:s11], $0x80  }
0x98: {  	[sflag:s11] =	ssyncset.done @!p0 $0x0  }
0x99: {  	[sflag:s11] =	ssyncadd.s32 @!p0 $0xFFFFFF80  }
0x9a: {  	_ =	swait.ge @!p0 [sflag:s11], $0x80  }
0x9b: {  	s20 =	simm.s32 @!p0 $0x300;
	[sflag:s11] =	ssyncset.done @!p0 $0x0  }
0x9c: {  	s16 =	simm.s32 @!p0 $0x0;
	[sflag:s11] =	ssyncadd.s32 @!p0 $0xFFFFFF80;
	s11 =	simm.s32 @!p0 $0x80  }
0x9d: {  	[tilespmem:s20], [sflag:$0x3] =	stream.indirect.gather @!p0 [hbm4b:s1+s11], $0x80, s16, s11, $0xb8;
	[tilespmem:$0x18300] =	vst v63  }
0x9e: {  	s20 =	simm.s32 @!p0 $0x4300  }
0x9f: {  	[tilespmem:s20], [sflag:$0x3] =	stream.indirect.gather @!p0 [hbm4b:s2+s11], $0x80, s11, s11, $0xb8;
	[tilespmem:$0x18300] =	vst v63  }
0xa0: {  	s23 =	simm.s32 @!p0 $0x8300;
	s20 =	simm.s32 @!p0 $0x100  }
0xa1: {  	[tilespmem:s23], [sflag:$0x3] =	stream.indirect.gather @!p0 [hbm4b:s4+s11], $0x80, s20, s11, $0xb8;
	[tilespmem:$0x18300] =	vst v63  }
0xa2: {  	s11 =	simm.s32 @!p0 $0x4  }
0xa3: {  	_ =	swait.ge @!p0 [sflag:s11], $0x4000  }
0xa4: {  	[sflag:s11] =	ssyncset.done @!p0 $0x0  }
0xa5: {  	[sflag:s11] =	ssyncadd.s32 @!p0 $0xFFFFC000  }
0xa6: {  	_ =	swait.ge @!p0 [sflag:s11], $0x4000  }
0xa7: {  	[sflag:s11] =	ssyncset.done @!p0 $0x0  }
0xa8: {  	[sflag:s11] =	ssyncadd.s32 @!p0 $0xFFFFC000  }
0xa9: {  	s20 =	sadd.s32 @!p0 s22, s18;
	_ =	swait.ge @!p0 [sflag:s11], $0x4000  }
0xaa: {  	s20 =	sshrl.u32 @!p0 s20, $0x3;
	[sflag:s11] =	ssyncset.done @!p0 $0x0  }
0xab: {  	s22 =	simm.s32 @!p0 $0x180;
	[sflag:s11] =	ssyncadd.s32 @!p0 $0xFFFFC000;
	s11 =	sadd.s32 @!p0 s6, s20  }
0xac: {  	[tilespmem:s22], [sflag:$0x2] =	stream.linear.gather @!p0 [hbm4b:s11+s16], $0x80, $0x38;
	[tilespmem:$0x18300] =	vst v63  }
0xad: {  	s11 =	sadd.s32 @!p0 s7, s20;
	s22 =	simm.s32 @!p0 $0x200  }
0xae: {  	[tilespmem:s22], [sflag:$0x2] =	stream.linear.gather @!p0 [hbm4b:s11+s16], $0x80, $0x38;
	[tilespmem:$0x18300] =	vst v63  }
0xaf: {  	s11 =	sadd.s32 @!p0 s8, s20;
	s20 =	simm.s32 @!p0 $0x280  }
0xb0: {  	[tilespmem:s20], [sflag:$0x2] =	stream.linear.gather @!p0 [hbm4b:s11+s16], $0x80, $0x38;
	[tilespmem:$0x18300] =	vst v63  }
0xb1: {  	s16 =	simm.s32 $0x0  }
0xb2: {  	v5 =	vld [tilespmem:s16+$0x14300]  }
0xb3: {  	v4 =	vld [tilespmem:s16+$0x14310]  }
0xb4: {  	v3 =	vld [tilespmem:s16+$0x14320]  }
0xb5: {  	v2 =	vld [tilespmem:s16+$0x14330]  }
0xb6: {  	v1 =	vld [tilespmem:s16+$0x14340]  }
0xb7: {  	v0 =	vld [tilespmem:s16+$0x14350]  }
0xb8: {  	v12 =	vld [tilespmem:s16+$0x10300]  }
0xb9: {  	v17 =	vld [tilespmem:s16+$0x10310]  }
0xba: {  	v11 =	vld [tilespmem:s16+$0x10320]  }
0xbb: {  	v10 =	vld [tilespmem:s16+$0x10330]  }
0xbc: {  	v9 =	vld [tilespmem:s16+$0x10340]  }
0xbd: {  	v8 =	vld [tilespmem:s16+$0x10350]  }
0xbe: {  	v7 =	vld [tilespmem:s16+$0x10360]  }
0xbf: {  	v6 =	vld [tilespmem:s16+$0x10370]  }
0xc0: {  	v18 =	vld [tilespmem:s16+$0xC300]  }
0xc1: {  	v19 =	vld [tilespmem:s16+$0xC310]  }
0xc2: {  	v16 =	vld [tilespmem:s16+$0xC320]  }
0xc3: {  	v15 =	vld [tilespmem:s16+$0xC330]  }
0xc4: {  	v14 =	vld [tilespmem:s16+$0xC340]  }
0xc5: {  	v13 =	vld [tilespmem:s16+$0xC350];
	v18 =	vadd.f32 v12, v18  }
0xc6: {  	s20 =	simm.s32 $0x200;
	v17 =	vadd.f32 v17, v19;
	v12 =	vld [tilespmem:s16+$0xC360]  }
.LBB2_5:
0xc7: {  	p0 =	sne.s32 s20, $0xFE00;
	v5 =	vadd.f32 v5, v18;
	v11 =	vadd.f32 v11, v16;
	v16 =	vld [tilespmem:s16+$0xC370]  }
0xc8: {  	v4 =	vadd.f32 v4, v17;
	v10 =	vadd.f32 v10, v15;
	v15 =	vld [tilespmem:s16+$0x14360]  }
0xc9: {  	s11 =	sshra.s32 s20, $0x2;
	[tilespmem:s16+$0xC300] =	vst v5;
	v3 =	vadd.f32 v3, v11;
	v9 =	vadd.f32 v9, v14;
	v11 =	vld [tilespmem:s16+$0x14370]  }
0xca: {  	v5 =	vld [tilespmem:s11+$0x14300];
	[tilespmem:s16+$0xC310] =	vst v4;
	v2 =	vadd.f32 v2, v10;
	v8 =	vadd.f32 v8, v13  }
0xcb: {  	v4 =	vld [tilespmem:s11+$0x14310];
	[tilespmem:s16+$0xC320] =	vst v3;
	v1 =	vadd.f32 v1, v9;
	v7 =	vadd.f32 v7, v12  }
0xcc: {  	v3 =	vld [tilespmem:s11+$0x14320];
	[tilespmem:s16+$0xC330] =	vst v2;
	v0 =	vadd.f32 v0, v8;
	v6 =	vadd.f32 v6, v16  }
0xcd: {  	v2 =	vld [tilespmem:s11+$0x14330];
	[tilespmem:s16+$0xC340] =	vst v1;
	v7 =	vadd.f32 v15, v7  }
0xce: {  	v1 =	vld [tilespmem:s11+$0x14340];
	[tilespmem:s16+$0xC350] =	vst v0;
	v6 =	vadd.f32 v11, v6  }
0xcf: {  	v0 =	vld [tilespmem:s11+$0x14350];
	[tilespmem:s16+$0xC360] =	vst v7  }
0xd0: {  	v12 =	vld [tilespmem:s11+$0x10300];
	[tilespmem:s16+$0xC370] =	vst v6;
	s16 =	smov.u32 s11  }
0xd1: {  	v17 =	vld [tilespmem:s16+$0x10310]  }
0xd2: {  	v11 =	vld [tilespmem:s16+$0x10320]  }
0xd3: {  	v10 =	vld [tilespmem:s16+$0x10330]  }
0xd4: {  	v9 =	vld [tilespmem:s16+$0x10340]  }
0xd5: {  	v8 =	vld [tilespmem:s16+$0x10350]  }
0xd6: {  	v7 =	vld [tilespmem:s16+$0x10360]  }
0xd7: {  	v6 =	vld [tilespmem:s16+$0x10370]  }
0xd8: {  	v13 =	vld [tilespmem:s16+$0xC300]  }
0xd9: {  	v19 =	vld [tilespmem:s16+$0xC310]  }
.Ltmp1:
0xda: {  	v16 =	vld [tilespmem:s16+$0xC320];
	(pc) =	sbr.rel @p0 .LBB2_5-.Ltmp1, $4  }
0xdb: {  	v15 =	vld [tilespmem:s16+$0xC330]  }
0xdc: {  	v14 =	vld [tilespmem:s16+$0xC340]  }
0xdd: {  	v18 =	vadd.f32 v12, v13;
	v13 =	vld [tilespmem:s16+$0xC350]  }
0xde: {  	s20 =	sadd.s32 $0x200, s20;
	v17 =	vadd.f32 v17, v19;
	v12 =	vld [tilespmem:s16+$0xC360]  }
0xdf: {  	v5 =	vadd.f32 v5, v18;
	v55 =	vld [tilespmem:s16+$0xC370];
	v11 =	vadd.f32 v11, v16  }
0xe0: {  	v56 =	vld [tilespmem:s16+$0x14360];
	v4 =	vadd.f32 v4, v17;
	v10 =	vadd.f32 v10, v15  }
0xe1: {  	v58 =	vld [tilespmem:s16+$0x14370];
	[tilespmem:s16+$0xC300] =	vst v5;
	v3 =	vadd.f32 v3, v11;
	v57 =	vadd.f32 v9, v14  }
0xe2: {  	[tilespmem:s16+$0xC310] =	vst v4;
	v2 =	vadd.f32 v2, v10;
	v59 =	vadd.f32 v8, v13  }
0xe3: {  	s14 =	sadd.s32 $0x1, s14;
	[tilespmem:s16+$0xC320] =	vst v3;
	v1 =	vadd.f32 v1, v57;
	v60 =	vadd.f32 v7, v12  }
0xe4: {  	p0 =	sne.s32 s14, $0x14;
	[tilespmem:s16+$0xC330] =	vst v2;
	v0 =	vadd.f32 v0, v59;
	v61 =	vadd.f32 v6, v55  }
.Ltmp2:
0xe5: {  	[tilespmem:s16+$0xC340] =	vst v1;
	v62 =	vadd.f32 v56, v60;
	(pc) =	sbr.rel @p0 .LBB2_2-.Ltmp2, $4  }
0xe6: {  	s11 =	sadd.s32 s15, s19;
	[tilespmem:s16+$0xC350] =	vst v0;
	v63 =	vadd.f32 v58, v61  }
0xe7: {  	s11 =	sshrl.u32 s11, $0x3;
	[tilespmem:s16+$0xC360] =	vst v62  }
0xe8: {  	s11 =	sadd.s32 s9, s11;
	[tilespmem:s16+$0xC370] =	vst v63  }
0xe9: {  	[hbm4b:s11+s5] =	stream.linear.scatter [tilespmem:s0], [sflag:$0x6], $0x4000, $0x38;
	[tilespmem:$0x18300] =	vst v63  }
0xea: {  	s14 =	simm.s32 $0x6  }
0xeb: {  	_ =	swait.ge [sflag:s14], $0x4000  }
0xec: {  	s12 =	sadd.s32 $0x1, s12;
	s11 =	rddreg [dreg:$0xb]  }
0xed: {  	p0 =	sne.s32 s12, s11  }
.Ltmp3:
0xee: {  	_ = 	snop;
	(pc) =	sbr.rel @p0 .LBB2_1-.Ltmp3, $3  }
0xef: {  	_ =	sdelay $0x1  }
0xf0: {  	[sflag:s14] =	ssyncset.done $0x0  }
0xf1: {  	[sflag:s14] =	ssyncadd.s32 $0xFFFFC000  }
0xf2: {  	_ =	sfence.sel $0x180000  }
0xf3: {  	[bflag:$0x0] =	sbarrier.arrive $0xFFFF  }
0xf4: {  	_ =	strace $0x90000047  }
0xf5: {  	s0 =	stileid.u32;
	[bflag:$0x2] =	sbarrier.arrive $0xFFFF  }
0xf6: {  	p0 =	sne.s32 s0, $0x0;
	s0 =	rddreg [dreg:$0x4]  }
0xf7: {  	s0 =	sadd.s32 @!p0 $0x100000, s0  }
0xf8: {  	[sflag:s0] =	ssyncadd.tile.s32 @!p0 $0x1;
	_ =	shalt  }
.Lfunc_end2:
_tile_overlayer_lowered:
.L_overlay_start_2:
0xf9: {  	(tag) =	ssettag $0x2  }
0xfa: {  	s0 =	rddreg [dreg:$0x0];
	s2 =	stileid.u32  }
0xfb: {  	s1 =	rddreg [dreg:$0x1];
	p0 =	sne.s32 s2, $0x0  }
0xfc: {  	s3 =	rddreg [dreg:$0x2];
	[bflag:$0x3] =	sbarrier.arrive $0xFFFF;
	s2 =	simm.s32 @!p0 $0x1C07  }
0xfd: {  	[timem:s3], [sflag:s2] =	dma.local @!p0 [hbm:s0], s1  }
0xfe: {  	s0 =	simm.s32 @!p0 $0x7  }
0xff: {  	_ =	swait.ge @!p0 [sflag:s0], s1  }
0x100: {  	s1 =	ssub.s32 @!p0 $0x0, s1;
	[sflag:s0] =	ssyncset.done @!p0 $0x0  }
0x101: {  	[sflag:s0] =	ssyncadd.s32 @!p0 s1  }
0x102: {  	[bflag:$0x3] =	sbarrier.arrive $0xFFFF  }
0x103: {  	_ =	shalt  }

// kernel: kernel.9.cloned.1.call-start
scs
__scs_entry_jumppad:
0x0: {  	(pc) =	sbr.rel $0x88, $3  }
0x1: {  	(tag) =	ssettag $0x0;
	lr =	simm.s32 $0x1  }
0x2: {  	[smem:$0x3F96] =	sst lr;
	_ =	strace $0xD0000000  }
0x3: {  	_ = 	snop  }
0x4: {  	_ = 	snop  }
0x5: {  	_ = 	snop  }
0x6: {  	_ = 	snop  }
0x7: {  	_ = 	snop  }
__scs_overlays_trampoline_lowered:
0x8: {  	[smem:$0x3FA5] =	sst s0  }
0x9: {  	[smem:$0x3FA6] =	sst s1  }
0xa: {  	[smem:$0x3FA7] =	sst s2  }
0xb: {  	[smem:$0x3FA8] =	sst s3  }
0xc: {  	[smem:$0x3FA9] =	sst s4  }
0xd: {  	[smem:$0x3FAA] =	sst s5  }
0xe: {  	[smem:$0x3FAB] =	sst s6  }
0xf: {  	[smem:$0x3FAC] =	sst s7  }
0x10: {  	[smem:$0x3FAD] =	sst s8  }
0x11: {  	[smem:$0x3FAE] =	sst s9;
	s0 =	simm.s32 @!p0 $0x0  }
0x12: {  	s1 =	sld [smem:$0x3F94];
	s0 =	simm.s32 @p0 $0x1  }
0x13: {  	[smem:$0x3FAF] =	sst s0;
	s0 =	simm.s32 @!p1 $0x0  }
0x14: {  	s2 =	sld [smem:$0x3F93];
	s0 =	simm.s32 @p1 $0x1  }
0x15: {  	[smem:$0x3FB0] =	sst s0;
	s0 =	simm.s32 @!p2 $0x0  }
0x16: {  	s3 =	sld [smem:$0x3FDB];
	s0 =	simm.s32 @p2 $0x1  }
0x17: {  	s4 =	simm.s32 $0x1BF5;
	[smem:$0x3FB2] =	sst s0  }
0x18: {  	s0 =	sld [smem:$0x3F95];
	_ =	swait.ge [sflag:s4], $0x0  }
0x19: {  	s7 =	sld [smem:$0x3F96]  }
0x1a: {  	s8 =	sadd.s32 $0xFFFFE003, lr  }
0x1b: {  	s9 =	sadd.s32 $0xFFFFFEF7, lr;
	s5 =	simm.s32 $0xFFFFFFFF;
	p2 =	slt.u32 s8, $0xFFFFF086  }
0x1c: {  	p1 =	slt.u32 s9, $0xF7A;
	s5 =	simm.s32 @!p2 $0x0  }
0x1d: {  	s5 =	simm.s32 @p1 $0x1;
	p0 =	seq.s32 s7, s2  }
0x1e: {  	s7 =	smul.u32 @!p0 $0xF7A, s2;
	p2 =	seq.s32 @!p0 s5, $0x0  }
0x1f: {  	s9 =	smul.u32 $0xF7A, s1;
	s8 =	simm.s32 @!p0 $0x1BF5;
	p2 =	por !p2, p0  }
0x20: {  	[sflag:s8] =	ssyncset.s32 @!p0 $0xFFFFF086;
	s6 =	sadd.s32 @!p0 s3, s7;
	s7 =	simm.s32 @!p0 $0x108  }
0x21: {  	s3 =	sadd.s32 s3, s9;
	s6 =	sadd.s32 @!p0 $0x88, s6;
	s7 =	simm.s32 @p2 $0x1082  }
0x22: {  	[simem:s7], [sflag:s8] =	dma.local @!p0 [hbm:s6], $0xF7A  }
0x23: {  	s9 =	sor.u32 $0xD0000000, s2;
	s6 =	simm.s32 $0x108;
	_ =	swait.ge @!p0 [sflag:s8], $0x0  }
0x24: {  	s3 =	sadd.s32 $0x88, s3;
	s6 =	simm.s32 @!p1 $0x1082;
	[sflag:s4] =	ssyncset.s32 $0xFFFFF086  }
0x25: {  	[simem:s6], [sflag:s4] =	dma.local [hbm:s3], $0xF7A  }
0x26: {  	[smem:$0x3F96] =	sst s1;
	(tag) =	ssettag s2;
	_ =	strace s9  }
0x27: {  	s1 =	sld [smem:$0x3FA6]  }
0x28: {  	s2 =	sld [smem:$0x3FA7]  }
0x29: {  	s4 =	sld [smem:$0x3FA9]  }
0x2a: {  	p0 =	seq.s32 s5, $0x0;
	s5 =	sld [smem:$0x3FAA]  }
0x2b: {  	s6 =	sld [smem:$0x3FAB]  }
0x2c: {  	s7 =	sld [smem:$0x3FAC]  }
0x2d: {  	s3 =	simm.s32 $0x108;
	s8 =	sld [smem:$0x3FAD]  }
0x2e: {  	s3 =	simm.s32 @!p0 $0x1082;
	s9 =	sld [smem:$0x3FAE]  }
0x2f: {  	lr =	sadd.s32 s0, s3;
	s0 =	sld [smem:$0x3FA5]  }
0x30: {  	s3 =	sld [smem:$0x3FA8]  }
0x31: {  	[smem:$0x3FB1] =	sst s10  }
0x32: {  	s10 =	sld [smem:$0x3FAF];
	_ =	sdelay $0x3  }
0x33: {  	p0 =	seq.s32 s10, $0x1;
	s10 =	sld [smem:$0x3FB1];
	_ =	sdelay $0x3  }
0x34: {  	[smem:$0x3FB1] =	sst s10  }
0x35: {  	s10 =	sld [smem:$0x3FB0];
	_ =	sdelay $0x3  }
0x36: {  	p1 =	seq.s32 s10, $0x1;
	s10 =	sld [smem:$0x3FB1];
	_ =	sdelay $0x3  }
0x37: {  	[smem:$0x3FB1] =	sst s10  }
0x38: {  	s10 =	sld [smem:$0x3FB2]  }
0x39: {  	_ = 	snop;
	(pc) =	sbr.ind lr, $3  }
0x3a: {  	_ = 	snop  }
0x3b: {  	_ = 	snop  }
0x3c: {  	p2 =	seq.s32 s10, $0x1;
	s10 =	sld [smem:$0x3FB1]  }
0x3d: {  	_ =	shalt  }
0x3e: {  	_ =	shalt  }
0x3f: {  	_ =	shalt  }
0x40: {  	_ =	shalt  }
0x41: {  	_ =	shalt  }
0x42: {  	_ =	shalt  }
0x43: {  	_ =	shalt  }
0x44: {  	_ =	shalt  }
0x45: {  	_ =	shalt  }
0x46: {  	_ =	shalt  }
0x47: {  	_ =	shalt  }
0x48: {  	_ =	shalt  }
0x49: {  	_ =	shalt  }
0x4a: {  	_ =	shalt  }
0x4b: {  	_ =	shalt  }
0x4c: {  	_ =	shalt  }
0x4d: {  	_ =	shalt  }
0x4e: {  	_ =	shalt  }
0x4f: {  	_ =	shalt  }
0x50: {  	_ =	shalt  }
0x51: {  	_ =	shalt  }
0x52: {  	_ =	shalt  }
0x53: {  	_ =	shalt  }
0x54: {  	_ =	shalt  }
0x55: {  	_ =	shalt  }
0x56: {  	_ =	shalt  }
0x57: {  	_ =	shalt  }
0x58: {  	_ =	shalt  }
0x59: {  	_ =	shalt  }
0x5a: {  	_ =	shalt  }
0x5b: {  	_ =	shalt  }
0x5c: {  	_ =	shalt  }
0x5d: {  	_ =	shalt  }
0x5e: {  	_ =	shalt  }
0x5f: {  	_ =	shalt  }
0x60: {  	_ =	shalt  }
0x61: {  	_ =	shalt  }
0x62: {  	_ =	shalt  }
0x63: {  	_ =	shalt  }
0x64: {  	_ =	shalt  }
0x65: {  	_ =	shalt  }
0x66: {  	_ =	shalt  }
0x67: {  	_ =	shalt  }
0x68: {  	_ =	shalt  }
0x69: {  	_ =	shalt  }
0x6a: {  	_ =	shalt  }
0x6b: {  	_ =	shalt  }
0x6c: {  	_ =	shalt  }
0x6d: {  	_ =	shalt  }
0x6e: {  	_ =	shalt  }
0x6f: {  	_ =	shalt  }
0x70: {  	_ =	shalt  }
0x71: {  	_ =	shalt  }
0x72: {  	_ =	shalt  }
0x73: {  	_ =	shalt  }
0x74: {  	_ =	shalt  }
0x75: {  	_ =	shalt  }
0x76: {  	_ =	shalt  }
0x77: {  	_ =	shalt  }
0x78: {  	_ =	shalt  }
0x79: {  	_ =	shalt  }
0x7a: {  	_ =	shalt  }
0x7b: {  	_ =	shalt  }
0x7c: {  	_ =	shalt  }
0x7d: {  	_ =	shalt  }
0x7e: {  	_ =	shalt  }
0x7f: {  	_ =	shalt  }
0x80: {  	_ =	shalt  }
0x81: {  	_ =	shalt  }
0x82: {  	_ =	shalt  }
0x83: {  	_ =	shalt  }
0x84: {  	_ =	shalt  }
0x85: {  	_ =	shalt  }
0x86: {  	_ =	shalt  }
0x87: {  	_ =	shalt  }
.Lfunc_end0:
.L_simem_size_0:
called_computation.1_lowered:
.L_overlay_start_0:
0x88: {  	s2 =	sld [smem:$0x3FD9]  }
0x89: {  	s3 =	sld [smem:$0x3FFE];
	_ =	sdelay $0x1  }
0x8a: {  	s1 =	srdreg.scid  }
0x8b: {  	s0 =	sand.u32 $0x1, s1  }
0x8c: {  	s17 =	sshll.u32 s0, $0xA;
	s2 =	sadd.s32 s3, s2  }
0x8d: {  	s2 =	sadd.s32 s2, s17  }
0x8e: {  	[smem:$0x3FBD] =	sst s2  }
0x8f: {  	_ = 	snop  }
0x90: {  	s18 =	sld [smem:$0x3FC3]  }
0x91: {  	s4 =	sld [smem:$0x3FC2]  }
0x92: {  	s5 =	sld [smem:$0x3FC1];
	(tm) =	ssettm $0x1  }
0x93: {  	s19 =	sld [smem:$0x3FFB];
	_ =	sdelay $0x3  }
0x94: {  	_ =	strace s19  }
0x95: {  	s2 =	sld [smem:$0x3FFC];
	_ =	sdelay $0x3  }
0x96: {  	_ =	strace s2  }
0x97: {  	s2 =	sld [smem:$0x3FFD];
	_ =	sdelay $0x3  }
0x98: {  	_ =	strace s2  }
0x99: {  	_ =	strace $0x8FFFFFFF  }
0x9a: {  	s20 =	sld [smem:$0x3FDB];
	_ =	sdelay $0x1  }
0x9b: {  	s6 =	simm.s32 $_scs_section_size  }
0x9c: {  	s7 =	simm.s32 $_size__tile_overlayer_lowered;
	s8 =	simm.s32 $_tile_overlayer_lowered  }
0x9d: {  	s9 =	simm.s32 $0x1BFF;
	s21 =	sshll.u32 s8, $0x1;
	s6 =	sadd.s32 s6, s20  }
0x9e: {  	s22 =	simm.s32 $0x0;
	s7 =	sshll.u32 s7, $0x1;
	s8 =	sadd.s32 s21, s6  }
0x9f: {  	[timem:s22], [sflag:s9] =	dma.local [hbm:s8], s7  }
0xa0: {  	_ =	swait.ge [sflag:s9], s7  }
0xa1: {  	s7 =	ssub.s32 $0x0, s7;
	[sflag:s9] =	ssyncset.done $0x0  }
0xa2: {  	[sflag:s9] =	ssyncadd.s32 s7;
	_ =	sdelay $0x1  }
0xa3: {  	s23 =	simm.s32 $0x1B8B  }
0xa4: {  	_ =	swait.ge [sflag:s23], $0x1  }
0xa5: {  	[sflag:s23] =	ssyncset.done $0x0  }
0xa6: {  	[sflag:s23] =	ssyncadd.s32 $0xFFFFFFFF  }
0xa7: {  	s7 =	sld [smem:$0x0]  }
0xa8: {  	s8 =	sand.u32 $0xFFFFFFFE, s1  }
0xa9: {  	p0 =	sne.s32 s1, s8  }
0xaa: {  	s8 =	sshll.u32 @p0 s8, $0xE  }
0xab: {  	s8 =	sadd.s32 @p0 $0x11B8D, s8;
	s9 =	sshll.u32 @p0 s7, $0x11  }
0xac: {  	s8 =	sor.u32 @p0 s9, s8  }
0xad: {  	[sflag:s8] =	ssyncadd.remote.s32 @p0 $0x1;
	_ =	sdelay $0x1  }
0xae: {  	s8 =	simm.s32 @p0 $0x1B8D  }
0xaf: {  	_ =	swait.eq @p0 [sflag:s8], $0x1  }
0xb0: {  	[sflag:s8] =	ssyncadd.s32 @p0 $0xFFFFFFFF  }
0xb1: {  	s9 =	sshll.u32 @!p0 s1, $0xE  }
0xb2: {  	s9 =	sor.u32 @!p0 $0x4000, s9;
	s8 =	simm.s32 @!p0 $0x1B8D  }
0xb3: {  	s7 =	sshll.u32 @!p0 s7, $0x11;
	s9 =	sadd.s32 @!p0 $0x11B8D, s9;
	_ =	swait.eq @!p0 [sflag:s8], $0x1  }
0xb4: {  	s7 =	sor.u32 @!p0 s7, s9;
	[sflag:s8] =	ssyncadd.s32 @!p0 $0xFFFFFFFF  }
0xb5: {  	s25 =	simm.s32 $0x1B8E;
	s24 =	sld [smem:$0x3FFE];
	[sflag:s7] =	ssyncadd.remote.s32 @!p0 $0x1  }
0xb6: {  	s26 =	simm.s32 $execute0_lowered;
	[smem:$0x3FD2] =	sst s25  }
0xb7: {  	s8 =	sshll.u32 s26, $0x1;
	_ =	strace $0x80000049;
	[dreg:$0x1] =	wrdreg $0xFFFFFFFF  }
0xb8: {  	s28 =	simm.s32 $_size_execute0_lowered;
	s6 =	sadd.s32 s6, s8;
	[dreg:$0x0] =	wrdreg $0x0  }
0xb9: {  	s8 =	sshll.u32 s28, $0x1;
	[dreg:$0x2] =	wrdreg s6  }
0xba: {  	[dreg:$0x3] =	wrdreg s8  }
0xbb: {  	[dreg:$0x4] =	wrdreg $0xC0  }
0xbc: {  	_ =	task [dreg:s22], $0x5FFFF  }
0xbd: {  	[dreg:$0x1] =	wrdreg $0xFFFFFFFF  }
0xbe: {  	[dreg:$0x0] =	wrdreg $0x60  }
0xbf: {  	[dreg:$0x2] =	wrdreg s18  }
0xc0: {  	[dreg:$0x3] =	wrdreg s4  }
0xc1: {  	[dreg:$0x4] =	wrdreg s5  }
0xc2: {  	[dreg:$0x5] =	wrdreg s24  }
0xc3: {  	[dreg:$0x6] =	wrdreg $0xA  }
0xc4: {  	_ =	task.clear_ibuf [dreg:s22], $0x7FFFF;
	_ =	strace $0x90000049  }
0xc5: {  	s29 =	simm.s32 $0xA;
	_ =	strace $0x8000004B  }
0xc6: {  	_ =	swait.ge [sflag:s29], $0x1  }
0xc7: {  	[sflag:s29] =	ssyncadd.s32 $0xFFFFFFFF  }
0xc8: {  	_ =	strace $0x9000004B  }
0xc9: {  	_ =	sfence  }
0xca: {  	s30 =	sld [smem:$0x0];
	_ =	sdelay $0x2  }
0xcb: {  	s31 =	sshll.u32 s1, $0xD;
	s1 =	sshrl.u32 s1, $0x2  }
0xcc: {  	s4 =	sand.u32 $0x4000, s31;
	s1 =	sadd.s32 s1, s30  }
0xcd: {  	s0 =	sor.u32 s4, s0;
	s1 =	sshll.u32 s1, $0x11  }
0xce: {  	s0 =	sor.u32 s1, s0  }
0xcf: {  	s0 =	sadd.s32 $0x8F2B, s0  }
0xd0: {  	[sflag:s0] =	ssyncadd.remote.s32 $0x1  }
0xd1: {  	_ =	sfence.sel $0xFFFF  }
0xd2: {  	[dreg:$0x0] =	wrdreg $0xFFFFFFFF;
	(pc) =	sbr.abs _section_cstart, $3  }
0xd3: {  	[dreg:$0x1] =	wrdreg $0xFFFFFFFF  }
0xd4: {  	_ =	task.clear_ibuf [dreg:s22], $0x2FFFF;
	_ =	strace $0x9FFFFFFF  }
0xd5: {  	(tm) =	ssettm $0x7FFFFFFF  }
tec
execute0_lowered:
.L_overlay_start_1:
0x0: {  	(tag) =	ssettag $0x1  }
0x1: {  	s1 =	rddreg [dreg:$0x0]  }
0x2: {  	s2 =	rddreg [dreg:$0x1]  }
0x3: {  	s3 =	rddreg [dreg:$0x2]  }
0x4: {  	s0 =	rddreg [dreg:$0x3]  }
0x5: {  	s5 =	simm.s32 $0x0;
	s4 =	srdreg.scid;
	s6 =	stileid.u32  }
0x6: {  	s28 =	simm.s32 $0x180;
	s29 =	simm.s32 $0x200;
	s30 =	simm.s32 $0x280  }
0x7: {  	s31 =	simm.s32 $0x2;
	[smem:$0x7FF] =	sst s5;
	s4 =	sand.u32 $0x1, s4  }
0x8: {  	s6 =	sshll.u32 s6, $0x1;
	s7 =	sadd.s32 $0x6C00, s0;
	s8 =	sadd.s32 $0x13C00, s0  }
0x9: {  	s9 =	sadd.s32 $0x2A5C00, s0;
	s10 =	sor.u32 s4, s6;
	s4 =	ssub.s32 $0x2, s4  }
0xa: {  	_ =	strace $0x8000004A;
	s11 =	smul.u32 $0x1400, s10;
	s20 =	sshrl.u32 s4, $0x1  }
0xb: {  	s6 =	sadd.s32 $0x2A0C00, s0;
	s13 =	smul.u32 $0xA0000, s10;
	s0 =	ssub.s32 s4, s20  }
0xc: {  	s10 =	simm.s32 $0x5;
	s12 =	sshrl.u32 s11, $0x3;
	s0 =	smax.u32 s0, $0x1  }
0xd: {  	s17 =	sor.u32 $0x100, s11;
	s21 =	sadd.s32 s6, s12;
	[dreg:$0xb] =	wrdreg s0  }
0xe: {  	s18 =	sor.u32 $0x180, s11;
	s22 =	sadd.s32 s7, s12;
	[dreg:$0x5] =	wrdreg s21  }
0xf: {  	s23 =	sadd.s32 s8, s12;
	s24 =	sor.u32 $0x10, s12;
	[dreg:$0x6] =	wrdreg s22  }
0x10: {  	s19 =	sor.u32 $0x4000, s13;
	[dreg:$0x7] =	wrdreg s23;
	s25 =	sadd.s32 s6, s24  }
0x11: {  	s0 =	simm.s32 $0xC300;
	s26 =	sadd.s32 s7, s24;
	[dreg:$0x8] =	wrdreg s25  }
0x12: {  	s12 =	simm.s32 $0x0;
	s4 =	sadd.s32 s8, s24;
	[dreg:$0x9] =	wrdreg s26  }
0x13: {  	s21 =	simm.s32 $0x80;
	s24 =	simm.s32 $0x300;
	[dreg:$0xa] =	wrdreg s4  }
0x14: {  	s4 =	simm.s32 $0x10300;
	s25 =	simm.s32 $0x14300;
	s26 =	simm.s32 $0x3  }
.LBB2_1:
0x15: {  	s11 =	rddreg [dreg:$0x5]  }
0x16: {  	[tilespmem:s5], [sflag:$0x1] =	stream.linear.gather [hbm4b:s11+s5], $0x80, $0x38;
	[tilespmem:$0x18300] =	vst v63  }
0x17: {  	s20 =	rddreg [dreg:$0x6]  }
0x18: {  	[tilespmem:s21], [sflag:$0x1] =	stream.linear.gather [hbm4b:s20+s5], $0x80, $0x38;
	[tilespmem:$0x18300] =	vst v63  }
0x19: {  	s22 =	rddreg [dreg:$0x7];
	s14 =	simm.s32 $0x100;
	s23 =	simm.s32 $0x1  }
0x1a: {  	[tilespmem:s14], [sflag:$0x1] =	stream.linear.gather [hbm4b:s22+s5], $0x80, $0x38;
	[tilespmem:$0x18300] =	vst v63  }
0x1b: {  	_ =	swait.ge [sflag:s23], $0x80  }
0x1c: {  	[sflag:s23] =	ssyncset.done $0x0  }
0x1d: {  	[sflag:s23] =	ssyncadd.s32 $0xFFFFFF80  }
0x1e: {  	_ =	swait.ge [sflag:s23], $0x80  }
0x1f: {  	[sflag:s23] =	ssyncset.done $0x0  }
0x20: {  	[sflag:s23] =	ssyncadd.s32 $0xFFFFFF80  }
0x21: {  	_ =	swait.ge [sflag:s23], $0x80  }
0x22: {  	[sflag:s23] =	ssyncset.done $0x0  }
0x23: {  	[sflag:s23] =	ssyncadd.s32 $0xFFFFFF80  }
0x24: {  	[tilespmem:s24], [sflag:$0x3] =	stream.indirect.gather [hbm4b:s1+s21], $0x80, s5, s21, $0xb8;
	[tilespmem:$0x18300] =	vst v63  }
0x25: {  	s15 =	simm.s32 $0x4300  }
0x26: {  	[tilespmem:s15], [sflag:$0x3] =	stream.indirect.gather [hbm4b:s2+s21], $0x80, s21, s21, $0xb8;
	[tilespmem:$0x18300] =	vst v63  }
0x27: {  	s16 =	simm.s32 $0x8300  }
0x28: {  	[tilespmem:s16], [sflag:$0x3] =	stream.indirect.gather [hbm4b:s3+s21], $0x80, s14, s21, $0xb8;
	[tilespmem:$0x18300] =	vst v63  }
0x29: {  	s20 =	rddreg [dreg:$0x8]  }
0x2a: {  	[tilespmem:s28], [sflag:$0x2] =	stream.linear.gather [hbm4b:s20+s5], $0x80, $0x38;
	[tilespmem:$0x18300] =	vst v63  }
0x2b: {  	s22 =	rddreg [dreg:$0x9]  }
0x2c: {  	[tilespmem:s29], [sflag:$0x2] =	stream.linear.gather [hbm4b:s22+s5], $0x80, $0x38;
	[tilespmem:$0x18300] =	vst v63  }
0x2d: {  	s23 =	rddreg [dreg:$0xa];
	s14 =	simm.s32 $0x0  }
0x2e: {  	[tilespmem:s30], [sflag:$0x2] =	stream.linear.gather [hbm4b:s23+s5], $0x80, $0x38;
	[tilespmem:$0x18300] =	vst v63  }
.LBB2_2:
0x2f: {  	p0 =	seq.s32 s14, $0x0  }
0x30: {  	s15 =	simm.s32 @!p0 $0x6  }
0x31: {  	_ =	swait.ge @!p0 [sflag:s15], $0x4000  }
0x32: {  	[sflag:s15] =	ssyncset.done @!p0 $0x0  }
0x33: {  	[sflag:s15] =	ssyncadd.s32 @!p0 $0xFFFFC000  }
0x34: {  	_ =	swait.ge [sflag:s31], $0x80  }
0x35: {  	[sflag:s31] =	ssyncset.done $0x0  }
0x36: {  	[sflag:s31] =	ssyncadd.s32 $0xFFFFFF80  }
0x37: {  	_ =	swait.ge [sflag:s31], $0x80  }
0x38: {  	[sflag:s31] =	ssyncset.done $0x0  }
0x39: {  	[sflag:s31] =	ssyncadd.s32 $0xFFFFFF80  }
0x3a: {  	_ =	swait.ge [sflag:s31], $0x80  }
0x3b: {  	[sflag:s31] =	ssyncset.done $0x0  }
0x3c: {  	[sflag:s31] =	ssyncadd.s32 $0xFFFFFF80  }
0x3d: {  	[tilespmem:s0], [sflag:$0x4] =	stream.indirect.gather [hbm4b:s1+s21], $0x80, s28, s21, $0xb8;
	[tilespmem:$0x18300] =	vst v63  }
0x3e: {  	_ = 	snop  }
0x3f: {  	[tilespmem:s4], [sflag:$0x4] =	stream.indirect.gather [hbm4b:s2+s21], $0x80, s29, s21, $0xb8;
	[tilespmem:$0x18300] =	vst v63  }
0x40: {  	_ = 	snop  }
0x41: {  	[tilespmem:s25], [sflag:$0x4] =	stream.indirect.gather [hbm4b:s3+s21], $0x80, s30, s21, $0xb8;
	[tilespmem:$0x18300] =	vst v63  }
0x42: {  	_ =	swait.ge [sflag:s26], $0x4000  }
0x43: {  	[sflag:s26] =	ssyncset.done $0x0  }
0x44: {  	[sflag:s26] =	ssyncadd.s32 $0xFFFFC000  }
0x45: {  	_ =	swait.ge [sflag:s26], $0x4000  }
0x46: {  	p0 =	seq.s32 s14, $0x13;
	[sflag:s26] =	ssyncset.done $0x0  }
0x47: {  	s22 =	sshll.u32 @!p0 s14, $0x8;
	[sflag:s26] =	ssyncadd.s32 $0xFFFFC000  }
0x48: {  	s15 =	sadd.s32 @!p0 s22, s17;
	_ =	swait.ge [sflag:s26], $0x4000  }
0x49: {  	s15 =	sshrl.u32 @!p0 s15, $0x3;
	[sflag:s26] =	ssyncset.done $0x0  }
0x4a: {  	s20 =	simm.s32 @!p0 $0x0;
	s16 =	sadd.s32 @!p0 s6, s15;
	[sflag:s26] =	ssyncadd.s32 $0xFFFFC000  }
0x4b: {  	[tilespmem:s20], [sflag:$0x1] =	stream.linear.gather @!p0 [hbm4b:s16+s20], $0x80, $0x38;
	[tilespmem:$0x18300] =	vst v63  }
0x4c: {  	s11 =	simm.s32 @!p0 $0x80;
	s16 =	sadd.s32 @!p0 s7, s15  }
0x4d: {  	[tilespmem:s11], [sflag:$0x1] =	stream.linear.gather @!p0 [hbm4b:s16+s20], $0x80, $0x38;
	[tilespmem:$0x18300] =	vst v63  }
0x4e: {  	s11 =	sadd.s32 @!p0 s8, s15;
	s15 =	simm.s32 @!p0 $0x100;
	s16 =	simm.s32 $0x0  }
0x4f: {  	[tilespmem:s15], [sflag:$0x1] =	stream.linear.gather @!p0 [hbm4b:s11+s20], $0x80, $0x38;
	[tilespmem:$0x18300] =	vst v63  }
0x50: {  	v5 =	vld [tilespmem:s16+$0x8300]  }
0x51: {  	v4 =	vld [tilespmem:s16+$0x8310]  }
0x52: {  	v3 =	vld [tilespmem:s16+$0x8320]  }
0x53: {  	v2 =	vld [tilespmem:s16+$0x8330]  }
0x54: {  	v1 =	vld [tilespmem:s16+$0x8340]  }
0x55: {  	v0 =	vld [tilespmem:s16+$0x8350]  }
0x56: {  	v12 =	vld [tilespmem:s16+$0x4300]  }
0x57: {  	v17 =	vld [tilespmem:s16+$0x4310]  }
0x58: {  	v11 =	vld [tilespmem:s16+$0x4320]  }
0x59: {  	v10 =	vld [tilespmem:s16+$0x4330]  }
0x5a: {  	v9 =	vld [tilespmem:s16+$0x4340]  }
0x5b: {  	v8 =	vld [tilespmem:s16+$0x4350]  }
0x5c: {  	v7 =	vld [tilespmem:s16+$0x4360]  }
0x5d: {  	v6 =	vld [tilespmem:s16+$0x4370]  }
0x5e: {  	v18 =	vld [tilespmem:s16+$0x300]  }
0x5f: {  	v19 =	vld [tilespmem:s16+$0x310]  }
0x60: {  	v16 =	vld [tilespmem:s16+$0x320]  }
0x61: {  	v15 =	vld [tilespmem:s16+$0x330]  }
0x62: {  	v14 =	vld [tilespmem:s16+$0x340]  }
0x63: {  	v13 =	vld [tilespmem:s16+$0x350];
	v18 =	vadd.f32 v12, v18  }
0x64: {  	s15 =	sshll.u32 s14, $0xF;
	s20 =	simm.s32 $0x200;
	v17 =	vadd.f32 v17, v19;
	v12 =	vld [tilespmem:s16+$0x360]  }
.LBB2_3:
0x65: {  	p1 =	sne.s32 s20, $0xFE00;
	v5 =	vadd.f32 v5, v18;
	v11 =	vadd.f32 v11, v16;
	v16 =	vld [tilespmem:s16+$0x370]  }
0x66: {  	v4 =	vadd.f32 v4, v17;
	v10 =	vadd.f32 v10, v15;
	v15 =	vld [tilespmem:s16+$0x8360]  }
0x67: {  	s11 =	sshra.s32 s20, $0x2;
	[tilespmem:s16+$0x300] =	vst v5;
	v3 =	vadd.f32 v3, v11;
	v9 =	vadd.f32 v9, v14;
	v11 =	vld [tilespmem:s16+$0x8370]  }
0x68: {  	v5 =	vld [tilespmem:s11+$0x8300];
	[tilespmem:s16+$0x310] =	vst v4;
	v2 =	vadd.f32 v2, v10;
	v8 =	vadd.f32 v8, v13  }
0x69: {  	v4 =	vld [tilespmem:s11+$0x8310];
	[tilespmem:s16+$0x320] =	vst v3;
	v1 =	vadd.f32 v1, v9;
	v7 =	vadd.f32 v7, v12  }
0x6a: {  	v3 =	vld [tilespmem:s11+$0x8320];
	[tilespmem:s16+$0x330] =	vst v2;
	v0 =	vadd.f32 v0, v8;
	v6 =	vadd.f32 v6, v16  }
0x6b: {  	v2 =	vld [tilespmem:s11+$0x8330];
	[tilespmem:s16+$0x340] =	vst v1;
	v7 =	vadd.f32 v15, v7  }
0x6c: {  	v1 =	vld [tilespmem:s11+$0x8340];
	[tilespmem:s16+$0x350] =	vst v0;
	v6 =	vadd.f32 v11, v6  }
0x6d: {  	v0 =	vld [tilespmem:s11+$0x8350];
	[tilespmem:s16+$0x360] =	vst v7  }
0x6e: {  	v12 =	vld [tilespmem:s11+$0x4300];
	[tilespmem:s16+$0x370] =	vst v6;
	s16 =	smov.u32 s11  }
0x6f: {  	v17 =	vld [tilespmem:s16+$0x4310]  }
0x70: {  	v11 =	vld [tilespmem:s16+$0x4320]  }
0x71: {  	v10 =	vld [tilespmem:s16+$0x4330]  }
0x72: {  	v9 =	vld [tilespmem:s16+$0x4340]  }
0x73: {  	v8 =	vld [tilespmem:s16+$0x4350]  }
0x74: {  	v7 =	vld [tilespmem:s16+$0x4360]  }
0x75: {  	v6 =	vld [tilespmem:s16+$0x4370]  }
0x76: {  	v13 =	vld [tilespmem:s16+$0x300]  }
0x77: {  	v19 =	vld [tilespmem:s16+$0x310]  }
.Ltmp0:
0x78: {  	v16 =	vld [tilespmem:s16+$0x320];
	(pc) =	sbr.rel @p1 .LBB2_3-.Ltmp0, $4  }
0x79: {  	v15 =	vld [tilespmem:s16+$0x330]  }
0x7a: {  	v14 =	vld [tilespmem:s16+$0x340]  }
0x7b: {  	v18 =	vadd.f32 v12, v13;
	v13 =	vld [tilespmem:s16+$0x350]  }
0x7c: {  	s20 =	sadd.s32 $0x200, s20;
	v17 =	vadd.f32 v17, v19;
	v12 =	vld [tilespmem:s16+$0x360]  }
0x7d: {  	v5 =	vadd.f32 v5, v18;
	v18 =	vld [tilespmem:s16+$0x370];
	v11 =	vadd.f32 v11, v16  }
0x7e: {  	v16 =	vld [tilespmem:s16+$0x8360];
	v4 =	vadd.f32 v4, v17;
	v10 =	vadd.f32 v10, v15  }
0x7f: {  	[tilespmem:s16+$0x300] =	vst v5;
	v3 =	vadd.f32 v3, v11;
	v5 =	vadd.f32 v9, v14;
	v9 =	vld [tilespmem:s16+$0x8370]  }
0x80: {  	[tilespmem:s16+$0x310] =	vst v4;
	v2 =	vadd.f32 v2, v10;
	v4 =	vadd.f32 v8, v13  }
0x81: {  	[tilespmem:s16+$0x320] =	vst v3;
	v1 =	vadd.f32 v1, v5;
	v3 =	vadd.f32 v7, v12  }
0x82: {  	[tilespmem:s16+$0x330] =	vst v2;
	v0 =	vadd.f32 v0, v4;
	v2 =	vadd.f32 v6, v18  }
0x83: {  	[tilespmem:s16+$0x340] =	vst v1;
	v1 =	vadd.f32 v16, v3  }
0x84: {  	s11 =	sadd.s32 s13, s15;
	[tilespmem:s16+$0x350] =	vst v0;
	v0 =	vadd.f32 v9, v2  }
0x85: {  	s11 =	sshrl.u32 s11, $0x3;
	[tilespmem:s16+$0x360] =	vst v1  }
0x86: {  	s11 =	sadd.s32 s9, s11;
	[tilespmem:s16+$0x370] =	vst v0  }
0x87: {  	[hbm4b:s11+s5] =	stream.linear.scatter [tilespmem:s24], [sflag:$0x5], $0x4000, $0x38;
	[tilespmem:$0x18300] =	vst v63  }
0x88: {  	_ =	swait.ge [sflag:s10], $0x4000  }
0x89: {  	[sflag:s10] =	ssyncset.done $0x0  }
0x8a: {  	s11 =	simm.s32 @p0 $0x4;
	[sflag:s10] =	ssyncadd.s32 $0xFFFFC000  }
0x8b: {  	_ =	swait.ge @p0 [sflag:s11], $0x4000  }
0x8c: {  	[sflag:s11] =	ssyncset.done @p0 $0x0  }
0x8d: {  	[sflag:s11] =	ssyncadd.s32 @p0 $0xFFFFC000  }
0x8e: {  	_ =	swait.ge @p0 [sflag:s11], $0x4000  }
0x8f: {  	[sflag:s11] =	ssyncset.done @p0 $0x0  }
0x90: {  	[sflag:s11] =	ssyncadd.s32 @p0 $0xFFFFC000  }
0x91: {  	_ =	swait.ge @p0 [sflag:s11], $0x4000  }
0x92: {  	[sflag:s11] =	ssyncset.done @p0 $0x0  }
0x93: {  	[sflag:s11] =	ssyncadd.s32 @p0 $0xFFFFC000;
	s11 =	simm.s32 @!p0 $0x1  }
0x94: {  	_ =	swait.ge @!p0 [sflag:s11], $0x80  }
0x95: {  	[sflag:s11] =	ssyncset.done @!p0 $0x0  }
0x96: {  	[sflag:s11] =	ssyncadd.s32 @!p0 $0xFFFFFF80  }
0x97: {  	_ =	swait.ge @!p0 [sflag:s11], $0x80  }
0x98: {  	[sflag:s11] =	ssyncset.done @!p0 $0x0  }
0x99: {  	[sflag:s11] =	ssyncadd.s32 @!p0 $0xFFFFFF80  }
0x9a: {  	_ =	swait.ge @!p0 [sflag:s11], $0x80  }
0x9b: {  	s20 =	simm.s32 @!p0 $0x300;
	[sflag:s11] =	ssyncset.done @!p0 $0x0  }
0x9c: {  	s16 =	simm.s32 @!p0 $0x0;
	[sflag:s11] =	ssyncadd.s32 @!p0 $0xFFFFFF80;
	s11 =	simm.s32 @!p0 $0x80  }
0x9d: {  	[tilespmem:s20], [sflag:$0x3] =	stream.indirect.gather @!p0 [hbm4b:s1+s11], $0x80, s16, s11, $0xb8;
	[tilespmem:$0x18300] =	vst v63  }
0x9e: {  	s20 =	simm.s32 @!p0 $0x4300  }
0x9f: {  	[tilespmem:s20], [sflag:$0x3] =	stream.indirect.gather @!p0 [hbm4b:s2+s11], $0x80, s11, s11, $0xb8;
	[tilespmem:$0x18300] =	vst v63  }
0xa0: {  	s23 =	simm.s32 @!p0 $0x8300;
	s20 =	simm.s32 @!p0 $0x100  }
0xa1: {  	[tilespmem:s23], [sflag:$0x3] =	stream.indirect.gather @!p0 [hbm4b:s3+s11], $0x80, s20, s11, $0xb8;
	[tilespmem:$0x18300] =	vst v63  }
0xa2: {  	s11 =	simm.s32 @!p0 $0x4  }
0xa3: {  	_ =	swait.ge @!p0 [sflag:s11], $0x4000  }
0xa4: {  	[sflag:s11] =	ssyncset.done @!p0 $0x0  }
0xa5: {  	[sflag:s11] =	ssyncadd.s32 @!p0 $0xFFFFC000  }
0xa6: {  	_ =	swait.ge @!p0 [sflag:s11], $0x4000  }
0xa7: {  	[sflag:s11] =	ssyncset.done @!p0 $0x0  }
0xa8: {  	[sflag:s11] =	ssyncadd.s32 @!p0 $0xFFFFC000  }
0xa9: {  	s20 =	sadd.s32 @!p0 s22, s18;
	_ =	swait.ge @!p0 [sflag:s11], $0x4000  }
0xaa: {  	s20 =	sshrl.u32 @!p0 s20, $0x3;
	[sflag:s11] =	ssyncset.done @!p0 $0x0  }
0xab: {  	s22 =	simm.s32 @!p0 $0x180;
	[sflag:s11] =	ssyncadd.s32 @!p0 $0xFFFFC000;
	s11 =	sadd.s32 @!p0 s6, s20  }
0xac: {  	[tilespmem:s22], [sflag:$0x2] =	stream.linear.gather @!p0 [hbm4b:s11+s16], $0x80, $0x38;
	[tilespmem:$0x18300] =	vst v63  }
0xad: {  	s11 =	sadd.s32 @!p0 s7, s20;
	s22 =	simm.s32 @!p0 $0x200  }
0xae: {  	[tilespmem:s22], [sflag:$0x2] =	stream.linear.gather @!p0 [hbm4b:s11+s16], $0x80, $0x38;
	[tilespmem:$0x18300] =	vst v63  }
0xaf: {  	s11 =	sadd.s32 @!p0 s8, s20;
	s20 =	simm.s32 @!p0 $0x280  }
0xb0: {  	[tilespmem:s20], [sflag:$0x2] =	stream.linear.gather @!p0 [hbm4b:s11+s16], $0x80, $0x38;
	[tilespmem:$0x18300] =	vst v63  }
0xb1: {  	s16 =	simm.s32 $0x0  }
0xb2: {  	v5 =	vld [tilespmem:s16+$0x14300]  }
0xb3: {  	v4 =	vld [tilespmem:s16+$0x14310]  }
0xb4: {  	v3 =	vld [tilespmem:s16+$0x14320]  }
0xb5: {  	v2 =	vld [tilespmem:s16+$0x14330]  }
0xb6: {  	v1 =	vld [tilespmem:s16+$0x14340]  }
0xb7: {  	v0 =	vld [tilespmem:s16+$0x14350]  }
0xb8: {  	v12 =	vld [tilespmem:s16+$0x10300]  }
0xb9: {  	v17 =	vld [tilespmem:s16+$0x10310]  }
0xba: {  	v11 =	vld [tilespmem:s16+$0x10320]  }
0xbb: {  	v10 =	vld [tilespmem:s16+$0x10330]  }
0xbc: {  	v9 =	vld [tilespmem:s16+$0x10340]  }
0xbd: {  	v8 =	vld [tilespmem:s16+$0x10350]  }
0xbe: {  	v7 =	vld [tilespmem:s16+$0x10360]  }
0xbf: {  	v6 =	vld [tilespmem:s16+$0x10370]  }
0xc0: {  	v18 =	vld [tilespmem:s16+$0xC300]  }
0xc1: {  	v19 =	vld [tilespmem:s16+$0xC310]  }
0xc2: {  	v16 =	vld [tilespmem:s16+$0xC320]  }
0xc3: {  	v15 =	vld [tilespmem:s16+$0xC330]  }
0xc4: {  	v14 =	vld [tilespmem:s16+$0xC340]  }
0xc5: {  	v13 =	vld [tilespmem:s16+$0xC350];
	v18 =	vadd.f32 v12, v18  }
0xc6: {  	s20 =	simm.s32 $0x200;
	v17 =	vadd.f32 v17, v19;
	v12 =	vld [tilespmem:s16+$0xC360]  }
.LBB2_5:
0xc7: {  	p0 =	sne.s32 s20, $0xFE00;
	v5 =	vadd.f32 v5, v18;
	v11 =	vadd.f32 v11, v16;
	v16 =	vld [tilespmem:s16+$0xC370]  }
0xc8: {  	v4 =	vadd.f32 v4, v17;
	v10 =	vadd.f32 v10, v15;
	v15 =	vld [tilespmem:s16+$0x14360]  }
0xc9: {  	s11 =	sshra.s32 s20, $0x2;
	[tilespmem:s16+$0xC300] =	vst v5;
	v3 =	vadd.f32 v3, v11;
	v9 =	vadd.f32 v9, v14;
	v11 =	vld [tilespmem:s16+$0x14370]  }
0xca: {  	v5 =	vld [tilespmem:s11+$0x14300];
	[tilespmem:s16+$0xC310] =	vst v4;
	v2 =	vadd.f32 v2, v10;
	v8 =	vadd.f32 v8, v13  }
0xcb: {  	v4 =	vld [tilespmem:s11+$0x14310];
	[tilespmem:s16+$0xC320] =	vst v3;
	v1 =	vadd.f32 v1, v9;
	v7 =	vadd.f32 v7, v12  }
0xcc: {  	v3 =	vld [tilespmem:s11+$0x14320];
	[tilespmem:s16+$0xC330] =	vst v2;
	v0 =	vadd.f32 v0, v8;
	v6 =	vadd.f32 v6, v16  }
0xcd: {  	v2 =	vld [tilespmem:s11+$0x14330];
	[tilespmem:s16+$0xC340] =	vst v1;
	v7 =	vadd.f32 v15, v7  }
0xce: {  	v1 =	vld [tilespmem:s11+$0x14340];
	[tilespmem:s16+$0xC350] =	vst v0;
	v6 =	vadd.f32 v11, v6  }
0xcf: {  	v0 =	vld [tilespmem:s11+$0x14350];
	[tilespmem:s16+$0xC360] =	vst v7  }
0xd0: {  	v12 =	vld [tilespmem:s11+$0x10300];
	[tilespmem:s16+$0xC370] =	vst v6;
	s16 =	smov.u32 s11  }
0xd1: {  	v17 =	vld [tilespmem:s16+$0x10310]  }
0xd2: {  	v11 =	vld [tilespmem:s16+$0x10320]  }
0xd3: {  	v10 =	vld [tilespmem:s16+$0x10330]  }
0xd4: {  	v9 =	vld [tilespmem:s16+$0x10340]  }
0xd5: {  	v8 =	vld [tilespmem:s16+$0x10350]  }
0xd6: {  	v7 =	vld [tilespmem:s16+$0x10360]  }
0xd7: {  	v6 =	vld [tilespmem:s16+$0x10370]  }
0xd8: {  	v13 =	vld [tilespmem:s16+$0xC300]  }
0xd9: {  	v19 =	vld [tilespmem:s16+$0xC310]  }
.Ltmp1:
0xda: {  	v16 =	vld [tilespmem:s16+$0xC320];
	(pc) =	sbr.rel @p0 .LBB2_5-.Ltmp1, $4  }
0xdb: {  	v15 =	vld [tilespmem:s16+$0xC330]  }
0xdc: {  	v14 =	vld [tilespmem:s16+$0xC340]  }
0xdd: {  	v18 =	vadd.f32 v12, v13;
	v13 =	vld [tilespmem:s16+$0xC350]  }
0xde: {  	s20 =	sadd.s32 $0x200, s20;
	v17 =	vadd.f32 v17, v19;
	v12 =	vld [tilespmem:s16+$0xC360]  }
0xdf: {  	v5 =	vadd.f32 v5, v18;
	v55 =	vld [tilespmem:s16+$0xC370];
	v11 =	vadd.f32 v11, v16  }
0xe0: {  	v56 =	vld [tilespmem:s16+$0x14360];
	v4 =	vadd.f32 v4, v17;
	v10 =	vadd.f32 v10, v15  }
0xe1: {  	v58 =	vld [tilespmem:s16+$0x14370];
	[tilespmem:s16+$0xC300] =	vst v5;
	v3 =	vadd.f32 v3, v11;
	v57 =	vadd.f32 v9, v14  }
0xe2: {  	[tilespmem:s16+$0xC310] =	vst v4;
	v2 =	vadd.f32 v2, v10;
	v59 =	vadd.f32 v8, v13  }
0xe3: {  	s14 =	sadd.s32 $0x1, s14;
	[tilespmem:s16+$0xC320] =	vst v3;
	v1 =	vadd.f32 v1, v57;
	v60 =	vadd.f32 v7, v12  }
0xe4: {  	p0 =	sne.s32 s14, $0x14;
	[tilespmem:s16+$0xC330] =	vst v2;
	v0 =	vadd.f32 v0, v59;
	v61 =	vadd.f32 v6, v55  }
.Ltmp2:
0xe5: {  	[tilespmem:s16+$0xC340] =	vst v1;
	v62 =	vadd.f32 v56, v60;
	(pc) =	sbr.rel @p0 .LBB2_2-.Ltmp2, $4  }
0xe6: {  	s11 =	sadd.s32 s15, s19;
	[tilespmem:s16+$0xC350] =	vst v0;
	v63 =	vadd.f32 v58, v61  }
0xe7: {  	s11 =	sshrl.u32 s11, $0x3;
	[tilespmem:s16+$0xC360] =	vst v62  }
0xe8: {  	s11 =	sadd.s32 s9, s11;
	[tilespmem:s16+$0xC370] =	vst v63  }
0xe9: {  	[hbm4b:s11+s5] =	stream.linear.scatter [tilespmem:s0], [sflag:$0x6], $0x4000, $0x38;
	[tilespmem:$0x18300] =	vst v63  }
0xea: {  	s14 =	simm.s32 $0x6  }
0xeb: {  	_ =	swait.ge [sflag:s14], $0x4000  }
0xec: {  	s12 =	sadd.s32 $0x1, s12;
	s11 =	rddreg [dreg:$0xb]  }
0xed: {  	p0 =	sne.s32 s12, s11  }
.Ltmp3:
0xee: {  	_ = 	snop;
	(pc) =	sbr.rel @p0 .LBB2_1-.Ltmp3, $3  }
0xef: {  	_ =	sdelay $0x1  }
0xf0: {  	[sflag:s14] =	ssyncset.done $0x0  }
0xf1: {  	[sflag:s14] =	ssyncadd.s32 $0xFFFFC000  }
0xf2: {  	_ =	sfence.sel $0x180000  }
0xf3: {  	[bflag:$0x0] =	sbarrier.arrive $0xFFFF  }
0xf4: {  	_ =	strace $0x9000004A  }
0xf5: {  	s0 =	stileid.u32;
	[bflag:$0x2] =	sbarrier.arrive $0xFFFF  }
0xf6: {  	p0 =	sne.s32 s0, $0x0;
	s0 =	rddreg [dreg:$0x4]  }
0xf7: {  	s0 =	sadd.s32 @!p0 $0x100000, s0  }
0xf8: {  	[sflag:s0] =	ssyncadd.tile.s32 @!p0 $0x1;
	_ =	shalt  }
.Lfunc_end2:
_tile_overlayer_lowered:
.L_overlay_start_2:
0xf9: {  	(tag) =	ssettag $0x2  }
0xfa: {  	s0 =	rddreg [dreg:$0x0];
	s2 =	stileid.u32  }
0xfb: {  	s1 =	rddreg [dreg:$0x1];
	p0 =	sne.s32 s2, $0x0  }
0xfc: {  	s3 =	rddreg [dreg:$0x2];
	[bflag:$0x3] =	sbarrier.arrive $0xFFFF;
	s2 =	simm.s32 @!p0 $0x1C07  }
0xfd: {  	[timem:s3], [sflag:s2] =	dma.local @!p0 [hbm:s0], s1  }
0xfe: {  	s0 =	simm.s32 @!p0 $0x7  }
0xff: {  	_ =	swait.ge @!p0 [sflag:s0], s1  }
0x100: {  	s1 =	ssub.s32 @!p0 $0x0, s1;
	[sflag:s0] =	ssyncset.done @!p0 $0x0  }
0x101: {  	[sflag:s0] =	ssyncadd.s32 @!p0 s1  }
0x102: {  	[bflag:$0x3] =	sbarrier.arrive $0xFFFF  }
0x103: {  	_ =	shalt  }

</sc_bundles>
